<compile_context>
chip_gen: v7x
topology: tpu7x:2x2x1
jax: 0.10.2.dev20260603
libtpu: 0.0.44.dev20260713+nightly
codegen_flags: <defaults>
</compile_context>

<pallas_src>
import functools

import jax
import jax.numpy as jnp
from jax import lax
from jax.experimental import pallas as pl
from jax.experimental.pallas import tpu as pltpu
from jax.experimental.pallas import tpu_sc as plsc

BATCH = 16384
FEAT = 16
PACK = 128 // FEAT

_DN_T = (((1,), (1,)), ((), ()))


def _sc_gather(table, idx):
    info = plsc.get_sparse_core_info()
    nw = info.num_cores * info.num_subcores
    b_per_w = BATCH // nw
    mesh = plsc.VectorSubcoreMesh(core_axis_name="c", subcore_axis_name="s")
    nst = 4
    q = b_per_w // nst

    @functools.partial(
        pl.kernel,
        mesh=mesh,
        compiler_params=pltpu.CompilerParams(use_tc_tiling_on_sc=False),
        out_type=jax.ShapeDtypeStruct((BATCH, FEAT), jnp.float32),
        scratch_types=(
            [pltpu.VMEM((q,), jnp.int32)] * nst
            + [pltpu.VMEM((q, FEAT), jnp.float32)] * nst
            + [pltpu.SemaphoreType.DMA] * (2 * nst)
        ),
    )
    def gather_k(table_hbm, idx_hbm, out_hbm, *scratch):
        idx_v = scratch[:nst]
        rows_v = scratch[nst:2 * nst]
        si = scratch[2 * nst:3 * nst]
        sg = scratch[3 * nst:]
        wid = lax.axis_index("s") * info.num_cores + lax.axis_index("c")
        base = wid * b_per_w
        icopies = [
            pltpu.async_copy(idx_hbm.at[pl.ds(base + k * q, q)], idx_v[k],
                             si[k]) for k in range(nst)
        ]
        gathers = []
        for k in range(nst):
            icopies[k].wait()
            gathers.append(
                pltpu.async_copy(table_hbm.at[idx_v[k]], rows_v[k], sg[k]))
        writes = []
        for k in range(nst):
            gathers[k].wait()
            writes.append(
                pltpu.async_copy(rows_v[k], out_hbm.at[pl.ds(base + k * q, q)],
                                 si[k]))
        for w in writes:
            w.wait()

    return gather_k(table, idx)


def _blockdiag(w_tiled, rows, cols, rblk, cblk):
    r = lax.broadcasted_iota(jnp.int32, (rows, cols), 0)
    c = lax.broadcasted_iota(jnp.int32, (rows, cols), 1)
    return jnp.where((r // rblk) == (c // cblk), w_tiled, 0.0)


def _tc_mlp(xp, igp, w1, b1, w2, b2, w3, b3):
    rows = BATCH // PACK
    blk = 1024
    grid = rows // blk
    f32 = jnp.float32

    def body(x_ref, ig_ref, w1_ref, b1_ref, w2_ref, b2_ref, w3_ref, b3_ref,
             o_ref):
        w1t = jnp.concatenate(
            [jnp.zeros((32, 2), f32), w1_ref[:], jnp.zeros((32, 5), f32)],
            axis=1)
        w1k = _blockdiag(jnp.tile(w1t, (8, 8)), 256, 128, 32, 16)
        w2k = _blockdiag(jnp.tile(w2_ref[:], (8, 8)), 128, 256, 16, 32)
        w3k = _blockdiag(jnp.tile(w3_ref[:], (8, 8)), 16, 128, 2, 16)
        sr = lax.broadcasted_iota(jnp.int32, (16, 128), 0)
        sc = lax.broadcasted_iota(jnp.int32, (16, 128), 1)
        selk = jnp.where(sc == 16 * (sr // 2) + (sr % 2), 1.0, 0.0)
        b1k = jnp.tile(b1_ref[:], (1, 8))
        b2k = jnp.tile(b2_ref[:], (1, 8))
        b3k = jnp.tile(b3_ref[:], (1, 8))

        x = x_ref[:] + ig_ref[:]
        h = lax.dot_general(x, w1k, _DN_T, preferred_element_type=f32)
        h = jnp.maximum(h + b1k, 0.0)
        h = lax.dot_general(h, w2k, _DN_T, preferred_element_type=f32)
        h = jnp.maximum(h + b2k, 0.0)
        r = lax.dot_general(h, w3k, _DN_T, preferred_element_type=f32)
        base = lax.dot_general(x, selk, _DN_T, preferred_element_type=f32)
        out = base + r + b3k
        o_ref[:] = out.reshape(blk, PACK, 2)

    full = lambda shape: pl.BlockSpec(shape, lambda i: (0, 0))
    return pl.pallas_call(
        body,
        grid=(grid,),
        in_specs=[
            pl.BlockSpec((blk, 128), lambda i: (i, 0)),
            pl.BlockSpec((blk, 128), lambda i: (i, 0)),
            full((32, 9)),
            full((1, 32)),
            full((16, 32)),
            full((1, 16)),
            full((2, 16)),
            full((1, 2)),
        ],
        out_specs=pl.BlockSpec((blk, PACK, 2), lambda i: (i, 0, 0)),
        out_shape=jax.ShapeDtypeStruct((rows, PACK, 2), jnp.float32),
    )(xp, igp, w1, b1, w2, b2, w3, b3)


def kernel(action_idx, is_ground, physics_params, action_emb, W1, b1, W2, b2,
           W3, b3, gravity):
    idx = action_idx.astype(jnp.int32)
    n = physics_params.shape[0]
    f32 = jnp.float32
    table = jnp.concatenate(
        [physics_params[:, :2], action_emb, jnp.zeros((n, FEAT - 10), f32)],
        axis=1)
    onehot10 = jnp.zeros((1, 1, FEAT), f32).at[0, 0, 10].set(1.0)
    igp = (is_ground.reshape(BATCH // PACK, PACK, 1) * onehot10).reshape(
        BATCH // PACK, 128)

    xg = _sc_gather(table, idx)
    xp = xg.reshape(BATCH // PACK, 128)
    outp = _tc_mlp(xp, igp, W1, b1.reshape(1, 32), W2, b2.reshape(1, 16),
                   W3, b3.reshape(1, 2))
    return (outp.reshape(BATCH, 2), gravity)

# --- scband reference (transcript-rebuilt; emitter-appended) ---
"""Pipeline reference for scband-legacy-physics-net-11845519802574 (READ-ONLY COPY).

The authoritative reference and input builder live on the scoring server;
editing this copy changes nothing except your own understanding.
"""

import jax, jax.numpy as jnp
import numpy as np

NUM_ACTIONS = 1000
BATCH = 16384


def setup_inputs(seed: int = 0) -> dict:
    key = jax.random.key(seed)
    ks = jax.random.split(key, 12)
    action_idx = jax.random.randint(ks[0], (BATCH,), 0, NUM_ACTIONS, dtype=jnp.int64 if jax.config.jax_enable_x64 else jnp.int32)
    is_ground = jax.random.uniform(ks[1], (BATCH,), dtype=jnp.float32)
    physics_params = jax.random.normal(ks[2], (NUM_ACTIONS, 3), dtype=jnp.float32)
    action_emb = jax.random.normal(ks[3], (NUM_ACTIONS, 8), dtype=jnp.float32)
    # residual_net: Linear(9->32), ReLU, Linear(32->16), ReLU, Linear(16->2)
    W1 = jax.random.normal(ks[4], (32, 9), dtype=jnp.float32) * (1.0 / np.sqrt(9))
    b1 = jnp.zeros((32,), dtype=jnp.float32)
    W2 = jax.random.normal(ks[5], (16, 32), dtype=jnp.float32) * (1.0 / np.sqrt(32))
    b2 = jnp.zeros((16,), dtype=jnp.float32)
    W3 = jax.random.normal(ks[6], (2, 16), dtype=jnp.float32) * (1.0 / np.sqrt(16))
    b3 = jnp.zeros((2,), dtype=jnp.float32)
    gravity = jnp.array([5.0], dtype=jnp.float32)
    return {
        "action_idx": action_idx,
        "is_ground": is_ground,
        "physics_params": physics_params,
        "action_emb": action_emb,
        "W1": W1, "b1": b1,
        "W2": W2, "b2": b2,
        "W3": W3, "b3": b3,
        "gravity": gravity,
    }


def reference(action_idx, is_ground, physics_params, action_emb, W1, b1, W2, b2, W3, b3, gravity):
    params = jnp.take(physics_params, action_idx, axis=0)        # [B, 3] embedding gather
    base_vel = params[:, :2]                                     # [B, 2]
    act_vec = jnp.take(action_emb, action_idx, axis=0)           # [B, 8] embedding gather
    ig = is_ground
    if ig.ndim == 1:
        ig = ig[:, None]
    res_input = jnp.concatenate([act_vec, ig], axis=1)           # [B, 9]
    h = jax.nn.relu(res_input @ W1.T + b1)
    h = jax.nn.relu(h @ W2.T + b2)
    residual = h @ W3.T + b3                                     # [B, 2]
    return (base_vel + residual, gravity)

if __name__ == "__main__":
    import jax
    _d = setup_inputs()
    print(jax.jit(kernel)(*tuple(_d.values())))

</pallas_src>

<mosaic_0001>
#map = affine_map<(d0, d1) -> (0, 0)>
#map1 = affine_map<(d0, d1) -> (0)>
module attributes {stable_mosaic.version = 14 : i64} {
  func.func @gather_k(%arg0: i32, %arg1: i32, %arg2: memref<1000x16xf32, #tpu.memory_space<hbm>>, %arg3: memref<16384xi32, #tpu.memory_space<hbm>>, %arg4: memref<16384x16xf32, #tpu.memory_space<hbm>>, %arg5: memref<128xi32, #tpu.memory_space<vmem>>, %arg6: memref<128xi32, #tpu.memory_space<vmem>>, %arg7: memref<128xi32, #tpu.memory_space<vmem>>, %arg8: memref<128xi32, #tpu.memory_space<vmem>>, %arg9: memref<128x16xf32, #tpu.memory_space<vmem>>, %arg10: memref<128x16xf32, #tpu.memory_space<vmem>>, %arg11: memref<128x16xf32, #tpu.memory_space<vmem>>, %arg12: memref<128x16xf32, #tpu.memory_space<vmem>>, %arg13: memref<!tpu.dma_semaphore, #tpu.memory_space<semaphore_mem>>, %arg14: memref<!tpu.dma_semaphore, #tpu.memory_space<semaphore_mem>>, %arg15: memref<!tpu.dma_semaphore, #tpu.memory_space<semaphore_mem>>, %arg16: memref<!tpu.dma_semaphore, #tpu.memory_space<semaphore_mem>>, %arg17: memref<!tpu.dma_semaphore, #tpu.memory_space<semaphore_mem>>, %arg18: memref<!tpu.dma_semaphore, #tpu.memory_space<semaphore_mem>>, %arg19: memref<!tpu.dma_semaphore, #tpu.memory_space<semaphore_mem>>, %arg20: memref<!tpu.dma_semaphore, #tpu.memory_space<semaphore_mem>>) attributes {dimension_semantics = [#tpu.dimension_semantics<core_parallel>, #tpu.dimension_semantics<subcore_parallel>], iteration_bounds = array<i64: 2, 16>, scalar_prefetch = 0 : i64, scratch_operands = 16 : i64, tpu.core_type = #tpu.core_type<sc_vector_subcore>, window_params = [{transform_indices = #map}, {transform_indices = #map1}, {transform_indices = #map}]} {
    %mul3A = arith.constant 2 : i32
    %mul3A_0 = arith.muli %arg1, %mul3A : i32
    %add3A = arith.addi %mul3A_0, %arg0 : i32
    %mul3A_1 = arith.constant 512 : i32
    %mul3A_2 = arith.muli %add3A, %mul3A_1 : i32
    %add3A_3 = arith.constant 0 : i32
    %add3A_4 = arith.addi %mul3A_2, %add3A_3 : i32
    %dma_start3A = tpu.memref_slice %arg3[%add3A_4] : memref<16384xi32, #tpu.memory_space<hbm>> -> memref<128xi32, #tpu.memory_space<hbm>>
    %dma_start3A_5 = tpu.memref_slice %arg3[%add3A_4] : memref<16384xi32, #tpu.memory_space<hbm>> -> memref<128xi32, #tpu.memory_space<hbm>>
    tpu.enqueue_dma source(%dma_start3A_5 : memref<128xi32, #tpu.memory_space<hbm>>) target(%arg5 : memref<128xi32, #tpu.memory_space<vmem>>) target_semaphore(%arg13 : memref<!tpu.dma_semaphore, #tpu.memory_space<semaphore_mem>>)
    %add3A_6 = arith.constant 128 : i32
    %add3A_7 = arith.addi %mul3A_2, %add3A_6 : i32
    %dma_start3A_8 = tpu.memref_slice %arg3[%add3A_7] : memref<16384xi32, #tpu.memory_space<hbm>> -> memref<128xi32, #tpu.memory_space<hbm>>
    %dma_start3A_9 = tpu.memref_slice %arg3[%add3A_7] : memref<16384xi32, #tpu.memory_space<hbm>> -> memref<128xi32, #tpu.memory_space<hbm>>
    tpu.enqueue_dma source(%dma_start3A_9 : memref<128xi32, #tpu.memory_space<hbm>>) target(%arg6 : memref<128xi32, #tpu.memory_space<vmem>>) target_semaphore(%arg14 : memref<!tpu.dma_semaphore, #tpu.memory_space<semaphore_mem>>)
    %add3A_10 = arith.constant 256 : i32
    %add3A_11 = arith.addi %mul3A_2, %add3A_10 : i32
    %dma_start3A_12 = tpu.memref_slice %arg3[%add3A_11] : memref<16384xi32, #tpu.memory_space<hbm>> -> memref<128xi32, #tpu.memory_space<hbm>>
    %dma_start3A_13 = tpu.memref_slice %arg3[%add3A_11] : memref<16384xi32, #tpu.memory_space<hbm>> -> memref<128xi32, #tpu.memory_space<hbm>>
    tpu.enqueue_dma source(%dma_start3A_13 : memref<128xi32, #tpu.memory_space<hbm>>) target(%arg7 : memref<128xi32, #tpu.memory_space<vmem>>) target_semaphore(%arg15 : memref<!tpu.dma_semaphore, #tpu.memory_space<semaphore_mem>>)
    %add3A_14 = arith.constant 384 : i32
    %add3A_15 = arith.addi %mul3A_2, %add3A_14 : i32
    %dma_start3A_16 = tpu.memref_slice %arg3[%add3A_15] : memref<16384xi32, #tpu.memory_space<hbm>> -> memref<128xi32, #tpu.memory_space<hbm>>
    %dma_start3A_17 = tpu.memref_slice %arg3[%add3A_15] : memref<16384xi32, #tpu.memory_space<hbm>> -> memref<128xi32, #tpu.memory_space<hbm>>
    tpu.enqueue_dma source(%dma_start3A_17 : memref<128xi32, #tpu.memory_space<hbm>>) target(%arg8 : memref<128xi32, #tpu.memory_space<vmem>>) target_semaphore(%arg16 : memref<!tpu.dma_semaphore, #tpu.memory_space<semaphore_mem>>)
    %dma_wait3A = tpu.memref_slice %arg3[%add3A_4] : memref<16384xi32, #tpu.memory_space<hbm>> -> memref<128xi32, #tpu.memory_space<hbm>>
    %dma_wait3A_18 = tpu.memref_slice %arg3[%add3A_4] : memref<16384xi32, #tpu.memory_space<hbm>> -> memref<128xi32, #tpu.memory_space<hbm>>
    tpu.wait_dma2 semaphore(%arg13 : memref<!tpu.dma_semaphore, #tpu.memory_space<semaphore_mem>>) src(%dma_wait3A_18 : memref<128xi32, #tpu.memory_space<hbm>>) dst(%arg5 : memref<128xi32, #tpu.memory_space<vmem>>)
    %dma_start3A_19 = arith.constant 0 : i32
    %dma_start3A_20 = arith.constant 0 : i32
    %dma_start3A_21 = tpu.memref_slice %arg2[%dma_start3A_19, %dma_start3A_20] : memref<1000x16xf32, #tpu.memory_space<hbm>> -> memref<1000x16xf32, #tpu.memory_space<hbm>>
    tpu.enqueue_indirect_dma source(%dma_start3A_21 : memref<1000x16xf32, #tpu.memory_space<hbm>>) target(%arg9 : memref<128x16xf32, #tpu.memory_space<vmem>>) offsets(%arg5 : memref<128xi32, #tpu.memory_space<vmem>>) semaphore(%arg17 : memref<!tpu.dma_semaphore, #tpu.memory_space<semaphore_mem>>)
    %dma_wait3A_22 = tpu.memref_slice %arg3[%add3A_7] : memref<16384xi32, #tpu.memory_space<hbm>> -> memref<128xi32, #tpu.memory_space<hbm>>
    %dma_wait3A_23 = tpu.memref_slice %arg3[%add3A_7] : memref<16384xi32, #tpu.memory_space<hbm>> -> memref<128xi32, #tpu.memory_space<hbm>>
    tpu.wait_dma2 semaphore(%arg14 : memref<!tpu.dma_semaphore, #tpu.memory_space<semaphore_mem>>) src(%dma_wait3A_23 : memref<128xi32, #tpu.memory_space<hbm>>) dst(%arg6 : memref<128xi32, #tpu.memory_space<vmem>>)
    %dma_start3A_24 = arith.constant 0 : i32
    %dma_start3A_25 = arith.constant 0 : i32
    %dma_start3A_26 = tpu.memref_slice %arg2[%dma_start3A_24, %dma_start3A_25] : memref<1000x16xf32, #tpu.memory_space<hbm>> -> memref<1000x16xf32, #tpu.memory_space<hbm>>
    tpu.enqueue_indirect_dma source(%dma_start3A_26 : memref<1000x16xf32, #tpu.memory_space<hbm>>) target(%arg10 : memref<128x16xf32, #tpu.memory_space<vmem>>) offsets(%arg6 : memref<128xi32, #tpu.memory_space<vmem>>) semaphore(%arg18 : memref<!tpu.dma_semaphore, #tpu.memory_space<semaphore_mem>>)
    %dma_wait3A_27 = tpu.memref_slice %arg3[%add3A_11] : memref<16384xi32, #tpu.memory_space<hbm>> -> memref<128xi32, #tpu.memory_space<hbm>>
    %dma_wait3A_28 = tpu.memref_slice %arg3[%add3A_11] : memref<16384xi32, #tpu.memory_space<hbm>> -> memref<128xi32, #tpu.memory_space<hbm>>
    tpu.wait_dma2 semaphore(%arg15 : memref<!tpu.dma_semaphore, #tpu.memory_space<semaphore_mem>>) src(%dma_wait3A_28 : memref<128xi32, #tpu.memory_space<hbm>>) dst(%arg7 : memref<128xi32, #tpu.memory_space<vmem>>)
    %dma_start3A_29 = arith.constant 0 : i32
    %dma_start3A_30 = arith.constant 0 : i32
    %dma_start3A_31 = tpu.memref_slice %arg2[%dma_start3A_29, %dma_start3A_30] : memref<1000x16xf32, #tpu.memory_space<hbm>> -> memref<1000x16xf32, #tpu.memory_space<hbm>>
    tpu.enqueue_indirect_dma source(%dma_start3A_31 : memref<1000x16xf32, #tpu.memory_space<hbm>>) target(%arg11 : memref<128x16xf32, #tpu.memory_space<vmem>>) offsets(%arg7 : memref<128xi32, #tpu.memory_space<vmem>>) semaphore(%arg19 : memref<!tpu.dma_semaphore, #tpu.memory_space<semaphore_mem>>)
    %dma_wait3A_32 = tpu.memref_slice %arg3[%add3A_15] : memref<16384xi32, #tpu.memory_space<hbm>> -> memref<128xi32, #tpu.memory_space<hbm>>
    %dma_wait3A_33 = tpu.memref_slice %arg3[%add3A_15] : memref<16384xi32, #tpu.memory_space<hbm>> -> memref<128xi32, #tpu.memory_space<hbm>>
    tpu.wait_dma2 semaphore(%arg16 : memref<!tpu.dma_semaphore, #tpu.memory_space<semaphore_mem>>) src(%dma_wait3A_33 : memref<128xi32, #tpu.memory_space<hbm>>) dst(%arg8 : memref<128xi32, #tpu.memory_space<vmem>>)
    %dma_start3A_34 = arith.constant 0 : i32
    %dma_start3A_35 = arith.constant 0 : i32
    %dma_start3A_36 = tpu.memref_slice %arg2[%dma_start3A_34, %dma_start3A_35] : memref<1000x16xf32, #tpu.memory_space<hbm>> -> memref<1000x16xf32, #tpu.memory_space<hbm>>
    tpu.enqueue_indirect_dma source(%dma_start3A_36 : memref<1000x16xf32, #tpu.memory_space<hbm>>) target(%arg12 : memref<128x16xf32, #tpu.memory_space<vmem>>) offsets(%arg8 : memref<128xi32, #tpu.memory_space<vmem>>) semaphore(%arg20 : memref<!tpu.dma_semaphore, #tpu.memory_space<semaphore_mem>>)
    %dma_wait3A_37 = arith.constant 0 : i32
    %dma_wait3A_38 = arith.constant 0 : i32
    %dma_wait3A_39 = tpu.memref_slice %arg2[%dma_wait3A_37, %dma_wait3A_38] : memref<1000x16xf32, #tpu.memory_space<hbm>> -> memref<1000x16xf32, #tpu.memory_space<hbm>>
    tpu.wait_indirect_dma semaphore(%arg17 : memref<!tpu.dma_semaphore, #tpu.memory_space<semaphore_mem>>) src(%dma_wait3A_39 : memref<1000x16xf32, #tpu.memory_space<hbm>>) dst(%arg9 : memref<128x16xf32, #tpu.memory_space<vmem>>)
    %add3A_40 = arith.constant 0 : i32
    %add3A_41 = arith.addi %mul3A_2, %add3A_40 : i32
    %dma_start3A_42 = arith.constant 0 : i32
    %dma_start3A_43 = tpu.memref_slice %arg4[%add3A_41, %dma_start3A_42] : memref<16384x16xf32, #tpu.memory_space<hbm>> -> memref<128x16xf32, #tpu.memory_space<hbm>>
    %dma_start3A_44 = arith.constant 0 : i32
    %dma_start3A_45 = tpu.memref_slice %arg4[%add3A_41, %dma_start3A_44] : memref<16384x16xf32, #tpu.memory_space<hbm>> -> memref<128x16xf32, #tpu.memory_space<hbm>>
    tpu.enqueue_dma source(%arg9 : memref<128x16xf32, #tpu.memory_space<vmem>>) target(%dma_start3A_45 : memref<128x16xf32, #tpu.memory_space<hbm>>) target_semaphore(%arg13 : memref<!tpu.dma_semaphore, #tpu.memory_space<semaphore_mem>>)
    %dma_wait3A_46 = arith.constant 0 : i32
    %dma_wait3A_47 = arith.constant 0 : i32
    %dma_wait3A_48 = tpu.memref_slice %arg2[%dma_wait3A_46, %dma_wait3A_47] : memref<1000x16xf32, #tpu.memory_space<hbm>> -> memref<1000x16xf32, #tpu.memory_space<hbm>>
    tpu.wait_indirect_dma semaphore(%arg18 : memref<!tpu.dma_semaphore, #tpu.memory_space<semaphore_mem>>) src(%dma_wait3A_48 : memref<1000x16xf32, #tpu.memory_space<hbm>>) dst(%arg10 : memref<128x16xf32, #tpu.memory_space<vmem>>)
    %add3A_49 = arith.constant 128 : i32
    %add3A_50 = arith.addi %mul3A_2, %add3A_49 : i32
    %dma_start3A_51 = arith.constant 0 : i32
    %dma_start3A_52 = tpu.memref_slice %arg4[%add3A_50, %dma_start3A_51] : memref<16384x16xf32, #tpu.memory_space<hbm>> -> memref<128x16xf32, #tpu.memory_space<hbm>>
    %dma_start3A_53 = arith.constant 0 : i32
    %dma_start3A_54 = tpu.memref_slice %arg4[%add3A_50, %dma_start3A_53] : memref<16384x16xf32, #tpu.memory_space<hbm>> -> memref<128x16xf32, #tpu.memory_space<hbm>>
    tpu.enqueue_dma source(%arg10 : memref<128x16xf32, #tpu.memory_space<vmem>>) target(%dma_start3A_54 : memref<128x16xf32, #tpu.memory_space<hbm>>) target_semaphore(%arg14 : memref<!tpu.dma_semaphore, #tpu.memory_space<semaphore_mem>>)
    %dma_wait3A_55 = arith.constant 0 : i32
    %dma_wait3A_56 = arith.constant 0 : i32
    %dma_wait3A_57 = tpu.memref_slice %arg2[%dma_wait3A_55, %dma_wait3A_56] : memref<1000x16xf32, #tpu.memory_space<hbm>> -> memref<1000x16xf32, #tpu.memory_space<hbm>>
    tpu.wait_indirect_dma semaphore(%arg19 : memref<!tpu.dma_semaphore, #tpu.memory_space<semaphore_mem>>) src(%dma_wait3A_57 : memref<1000x16xf32, #tpu.memory_space<hbm>>) dst(%arg11 : memref<128x16xf32, #tpu.memory_space<vmem>>)
    %add3A_58 = arith.constant 256 : i32
    %add3A_59 = arith.addi %mul3A_2, %add3A_58 : i32
    %dma_start3A_60 = arith.constant 0 : i32
    %dma_start3A_61 = tpu.memref_slice %arg4[%add3A_59, %dma_start3A_60] : memref<16384x16xf32, #tpu.memory_space<hbm>> -> memref<128x16xf32, #tpu.memory_space<hbm>>
    %dma_start3A_62 = arith.constant 0 : i32
    %dma_start3A_63 = tpu.memref_slice %arg4[%add3A_59, %dma_start3A_62] : memref<16384x16xf32, #tpu.memory_space<hbm>> -> memref<128x16xf32, #tpu.memory_space<hbm>>
    tpu.enqueue_dma source(%arg11 : memref<128x16xf32, #tpu.memory_space<vmem>>) target(%dma_start3A_63 : memref<128x16xf32, #tpu.memory_space<hbm>>) target_semaphore(%arg15 : memref<!tpu.dma_semaphore, #tpu.memory_space<semaphore_mem>>)
    %dma_wait3A_64 = arith.constant 0 : i32
    %dma_wait3A_65 = arith.constant 0 : i32
    %dma_wait3A_66 = tpu.memref_slice %arg2[%dma_wait3A_64, %dma_wait3A_65] : memref<1000x16xf32, #tpu.memory_space<hbm>> -> memref<1000x16xf32, #tpu.memory_space<hbm>>
    tpu.wait_indirect_dma semaphore(%arg20 : memref<!tpu.dma_semaphore, #tpu.memory_space<semaphore_mem>>) src(%dma_wait3A_66 : memref<1000x16xf32, #tpu.memory_space<hbm>>) dst(%arg12 : memref<128x16xf32, #tpu.memory_space<vmem>>)
    %add3A_67 = arith.constant 384 : i32
    %add3A_68 = arith.addi %mul3A_2, %add3A_67 : i32
    %dma_start3A_69 = arith.constant 0 : i32
    %dma_start3A_70 = tpu.memref_slice %arg4[%add3A_68, %dma_start3A_69] : memref<16384x16xf32, #tpu.memory_space<hbm>> -> memref<128x16xf32, #tpu.memory_space<hbm>>
    %dma_start3A_71 = arith.constant 0 : i32
    %dma_start3A_72 = tpu.memref_slice %arg4[%add3A_68, %dma_start3A_71] : memref<16384x16xf32, #tpu.memory_space<hbm>> -> memref<128x16xf32, #tpu.memory_space<hbm>>
    tpu.enqueue_dma source(%arg12 : memref<128x16xf32, #tpu.memory_space<vmem>>) target(%dma_start3A_72 : memref<128x16xf32, #tpu.memory_space<hbm>>) target_semaphore(%arg16 : memref<!tpu.dma_semaphore, #tpu.memory_space<semaphore_mem>>)
    %dma_wait3A_73 = arith.constant 0 : i32
    %dma_wait3A_74 = tpu.memref_slice %arg4[%add3A_41, %dma_wait3A_73] : memref<16384x16xf32, #tpu.memory_space<hbm>> -> memref<128x16xf32, #tpu.memory_space<hbm>>
    %dma_wait3A_75 = arith.constant 0 : i32
    %dma_wait3A_76 = tpu.memref_slice %arg4[%add3A_41, %dma_wait3A_75] : memref<16384x16xf32, #tpu.memory_space<hbm>> -> memref<128x16xf32, #tpu.memory_space<hbm>>
    tpu.wait_dma2 semaphore(%arg13 : memref<!tpu.dma_semaphore, #tpu.memory_space<semaphore_mem>>) src(%arg9 : memref<128x16xf32, #tpu.memory_space<vmem>>) dst(%dma_wait3A_76 : memref<128x16xf32, #tpu.memory_space<hbm>>)
    %dma_wait3A_77 = arith.constant 0 : i32
    %dma_wait3A_78 = tpu.memref_slice %arg4[%add3A_50, %dma_wait3A_77] : memref<16384x16xf32, #tpu.memory_space<hbm>> -> memref<128x16xf32, #tpu.memory_space<hbm>>
    %dma_wait3A_79 = arith.constant 0 : i32
    %dma_wait3A_80 = tpu.memref_slice %arg4[%add3A_50, %dma_wait3A_79] : memref<16384x16xf32, #tpu.memory_space<hbm>> -> memref<128x16xf32, #tpu.memory_space<hbm>>
    tpu.wait_dma2 semaphore(%arg14 : memref<!tpu.dma_semaphore, #tpu.memory_space<semaphore_mem>>) src(%arg10 : memref<128x16xf32, #tpu.memory_space<vmem>>) dst(%dma_wait3A_80 : memref<128x16xf32, #tpu.memory_space<hbm>>)
    %dma_wait3A_81 = arith.constant 0 : i32
    %dma_wait3A_82 = tpu.memref_slice %arg4[%add3A_59, %dma_wait3A_81] : memref<16384x16xf32, #tpu.memory_space<hbm>> -> memref<128x16xf32, #tpu.memory_space<hbm>>
    %dma_wait3A_83 = arith.constant 0 : i32
    %dma_wait3A_84 = tpu.memref_slice %arg4[%add3A_59, %dma_wait3A_83] : memref<16384x16xf32, #tpu.memory_space<hbm>> -> memref<128x16xf32, #tpu.memory_space<hbm>>
    tpu.wait_dma2 semaphore(%arg15 : memref<!tpu.dma_semaphore, #tpu.memory_space<semaphore_mem>>) src(%arg11 : memref<128x16xf32, #tpu.memory_space<vmem>>) dst(%dma_wait3A_84 : memref<128x16xf32, #tpu.memory_space<hbm>>)
    %dma_wait3A_85 = arith.constant 0 : i32
    %dma_wait3A_86 = tpu.memref_slice %arg4[%add3A_68, %dma_wait3A_85] : memref<16384x16xf32, #tpu.memory_space<hbm>> -> memref<128x16xf32, #tpu.memory_space<hbm>>
    %dma_wait3A_87 = arith.constant 0 : i32
    %dma_wait3A_88 = tpu.memref_slice %arg4[%add3A_68, %dma_wait3A_87] : memref<16384x16xf32, #tpu.memory_space<hbm>> -> memref<128x16xf32, #tpu.memory_space<hbm>>
    tpu.wait_dma2 semaphore(%arg16 : memref<!tpu.dma_semaphore, #tpu.memory_space<semaphore_mem>>) src(%arg12 : memref<128x16xf32, #tpu.memory_space<vmem>>) dst(%dma_wait3A_88 : memref<128x16xf32, #tpu.memory_space<hbm>>)
    return
  }
}

module attributes {stable_mosaic.version = 14 : i64} {
  func.func @body(%arg0: i32, %arg1: memref<1024x128xf32, #tpu.memory_space<vmem>>, %arg2: memref<1024x128xf32, #tpu.memory_space<vmem>>, %arg3: memref<32x9xf32, #tpu.memory_space<vmem>>, %arg4: memref<1x32xf32, #tpu.memory_space<vmem>>, %arg5: memref<16x32xf32, #tpu.memory_space<vmem>>, %arg6: memref<1x16xf32, #tpu.memory_space<vmem>>, %arg7: memref<2x16xf32, #tpu.memory_space<vmem>>, %arg8: memref<1x2xf32, #tpu.memory_space<vmem>>, %arg9: memref<1024x8x2xf32, #tpu.memory_space<vmem>>) attributes {dimension_semantics = [#tpu.dimension_semantics<arbitrary>], iteration_bounds = array<i64: 2>, scalar_prefetch = 0 : i64, scratch_operands = 0 : i64, tpu.core_type = #tpu.core_type<tc>, window_params = [{transform_indices = @transform_0, window_bounds = array<i64: 1024, 128>}, {transform_indices = @transform_1, window_bounds = array<i64: 1024, 128>}, {pipeline_mode = #tpu.pipeline_mode<synchronous>, transform_indices = @transform_2, window_bounds = array<i64: 32, 9>}, {pipeline_mode = #tpu.pipeline_mode<synchronous>, transform_indices = @transform_3, window_bounds = array<i64: 1, 32>}, {pipeline_mode = #tpu.pipeline_mode<synchronous>, transform_indices = @transform_4, window_bounds = array<i64: 16, 32>}, {pipeline_mode = #tpu.pipeline_mode<synchronous>, transform_indices = @transform_5, window_bounds = array<i64: 1, 16>}, {pipeline_mode = #tpu.pipeline_mode<synchronous>, transform_indices = @transform_6, window_bounds = array<i64: 2, 16>}, {pipeline_mode = #tpu.pipeline_mode<synchronous>, transform_indices = @transform_7, window_bounds = array<i64: 1, 2>}, {transform_indices = @transform_8, window_bounds = array<i64: 1024, 8, 2>}]} {
    %broadcast_in_dim3A = arith.constant 0.000000e+00 : f32
    %broadcast_in_dim3A_0 = vector.broadcast %broadcast_in_dim3A : f32 to vector<32x2xf32>
    %get3A = arith.constant 0 : index
    %get3A_1 = arith.constant 0 : index
    %get3A_2 = vector.load %arg3[%get3A, %get3A_1] : memref<32x9xf32, #tpu.memory_space<vmem>>, vector<32x9xf32>
    %broadcast_in_dim3A_3 = arith.constant 0.000000e+00 : f32
    %broadcast_in_dim3A_4 = vector.broadcast %broadcast_in_dim3A_3 : f32 to vector<32x5xf32>
    %concatenate3A = tpu.concatenate %broadcast_in_dim3A_0, %get3A_2, %broadcast_in_dim3A_4 in 1 : vector<32x2xf32>, vector<32x9xf32>, vector<32x5xf32> -> vector<32x16xf32>
    %tile3A = tpu.concatenate %concatenate3A, %concatenate3A, %concatenate3A, %concatenate3A, %concatenate3A, %concatenate3A, %concatenate3A, %concatenate3A in 0 : vector<32x16xf32>, vector<32x16xf32>, vector<32x16xf32>, vector<32x16xf32>, vector<32x16xf32>, vector<32x16xf32>, vector<32x16xf32>, vector<32x16xf32> -> vector<256x16xf32>
    %tile3A_5 = tpu.concatenate %tile3A, %tile3A, %tile3A, %tile3A, %tile3A, %tile3A, %tile3A, %tile3A in 1 : vector<256x16xf32>, vector<256x16xf32>, vector<256x16xf32>, vector<256x16xf32>, vector<256x16xf32>, vector<256x16xf32>, vector<256x16xf32>, vector<256x16xf32> -> vector<256x128xf32>
    %iota3A = tpu.iota {dimensions = array<i32: 0>} : vector<256x128xi32>
    %iota3A_6 = tpu.iota {dimensions = array<i32: 1>} : vector<256x128xi32>
    %jit3A = arith.constant 32 : i32
    %div3A = vector.broadcast %jit3A : i32 to vector<256x128xi32>
    %div3A_7 = arith.divsi %iota3A, %div3A : vector<256x128xi32>
    %sign3A = arith.constant 0 : i32
    %sign3A_8 = vector.broadcast %sign3A : i32 to vector<256x128xi32>
    %sign3A_9 = arith.cmpi sgt, %iota3A, %sign3A_8 : vector<256x128xi32>
    %sign3A_10 = arith.extui %sign3A_9 : vector<256x128xi1> to vector<256x128xi32>
    %sign3A_11 = arith.constant 0 : i32
    %sign3A_12 = vector.broadcast %sign3A_11 : i32 to vector<256x128xi32>
    %sign3A_13 = arith.cmpi slt, %iota3A, %sign3A_12 : vector<256x128xi32>
    %sign3A_14 = arith.extui %sign3A_13 : vector<256x128xi1> to vector<256x128xi32>
    %sign3A_15 = arith.subi %sign3A_10, %sign3A_14 : vector<256x128xi32>
    %sign3A_16 = arith.constant 0 : i32
    %sign3A_17 = arith.cmpi sgt, %jit3A, %sign3A_16 : i32
    %sign3A_18 = arith.extui %sign3A_17 : i1 to i32
    %sign3A_19 = arith.constant 0 : i32
    %sign3A_20 = arith.cmpi slt, %jit3A, %sign3A_19 : i32
    %sign3A_21 = arith.extui %sign3A_20 : i1 to i32
    %sign3A_22 = arith.subi %sign3A_18, %sign3A_21 : i32
    %ne3A = vector.broadcast %sign3A_22 : i32 to vector<256x128xi32>
    %ne3A_23 = arith.cmpi ne, %sign3A_15, %ne3A : vector<256x128xi32>
    %rem3A = vector.broadcast %jit3A : i32 to vector<256x128xi32>
    %rem3A_24 = arith.remsi %iota3A, %rem3A : vector<256x128xi32>
    %ne3A_25 = arith.constant 0 : i32
    %ne3A_26 = vector.broadcast %ne3A_25 : i32 to vector<256x128xi32>
    %ne3A_27 = arith.cmpi ne, %rem3A_24, %ne3A_26 : vector<256x128xi32>
    %and3A = arith.andi %ne3A_23, %ne3A_27 : vector<256x128xi1>
    %sub3A = arith.constant 1 : i32
    %sub3A_28 = vector.broadcast %sub3A : i32 to vector<256x128xi32>
    %sub3A_29 = arith.subi %div3A_7, %sub3A_28 : vector<256x128xi32>
    %select_n3A = arith.select %and3A, %sub3A_29, %div3A_7 : vector<256x128xi1>, vector<256x128xi32>
    %jit3A_30 = arith.constant 16 : i32
    %div3A_31 = vector.broadcast %jit3A_30 : i32 to vector<256x128xi32>
    %div3A_32 = arith.divsi %iota3A_6, %div3A_31 : vector<256x128xi32>
    %sign3A_33 = arith.constant 0 : i32
    %sign3A_34 = vector.broadcast %sign3A_33 : i32 to vector<256x128xi32>
    %sign3A_35 = arith.cmpi sgt, %iota3A_6, %sign3A_34 : vector<256x128xi32>
    %sign3A_36 = arith.extui %sign3A_35 : vector<256x128xi1> to vector<256x128xi32>
    %sign3A_37 = arith.constant 0 : i32
    %sign3A_38 = vector.broadcast %sign3A_37 : i32 to vector<256x128xi32>
    %sign3A_39 = arith.cmpi slt, %iota3A_6, %sign3A_38 : vector<256x128xi32>
    %sign3A_40 = arith.extui %sign3A_39 : vector<256x128xi1> to vector<256x128xi32>
    %sign3A_41 = arith.subi %sign3A_36, %sign3A_40 : vector<256x128xi32>
    %sign3A_42 = arith.constant 0 : i32
    %sign3A_43 = arith.cmpi sgt, %jit3A_30, %sign3A_42 : i32
    %sign3A_44 = arith.extui %sign3A_43 : i1 to i32
    %sign3A_45 = arith.constant 0 : i32
    %sign3A_46 = arith.cmpi slt, %jit3A_30, %sign3A_45 : i32
    %sign3A_47 = arith.extui %sign3A_46 : i1 to i32
    %sign3A_48 = arith.subi %sign3A_44, %sign3A_47 : i32
    %ne3A_49 = vector.broadcast %sign3A_48 : i32 to vector<256x128xi32>
    %ne3A_50 = arith.cmpi ne, %sign3A_41, %ne3A_49 : vector<256x128xi32>
    %rem3A_51 = vector.broadcast %jit3A_30 : i32 to vector<256x128xi32>
    %rem3A_52 = arith.remsi %iota3A_6, %rem3A_51 : vector<256x128xi32>
    %ne3A_53 = arith.constant 0 : i32
    %ne3A_54 = vector.broadcast %ne3A_53 : i32 to vector<256x128xi32>
    %ne3A_55 = arith.cmpi ne, %rem3A_52, %ne3A_54 : vector<256x128xi32>
    %and3A_56 = arith.andi %ne3A_50, %ne3A_55 : vector<256x128xi1>
    %sub3A_57 = arith.constant 1 : i32
    %sub3A_58 = vector.broadcast %sub3A_57 : i32 to vector<256x128xi32>
    %sub3A_59 = arith.subi %div3A_32, %sub3A_58 : vector<256x128xi32>
    %select_n3A_60 = arith.select %and3A_56, %sub3A_59, %div3A_32 : vector<256x128xi1>, vector<256x128xi32>
    %eq3A = arith.cmpi eq, %select_n3A, %select_n3A_60 : vector<256x128xi32>
    %jit3A_61 = arith.constant 0.000000e+00 : f32
    %broadcast_in_dim3A_62 = vector.broadcast %jit3A_61 : f32 to vector<256x128xf32>
    %select_n3A_63 = arith.select %eq3A, %tile3A_5, %broadcast_in_dim3A_62 : vector<256x128xi1>, vector<256x128xf32>
    %get3A_64 = arith.constant 0 : index
    %get3A_65 = arith.constant 0 : index
    %get3A_66 = vector.load %arg5[%get3A_64, %get3A_65] : memref<16x32xf32, #tpu.memory_space<vmem>>, vector<16x32xf32>
    %tile3A_67 = tpu.concatenate %get3A_66, %get3A_66, %get3A_66, %get3A_66, %get3A_66, %get3A_66, %get3A_66, %get3A_66 in 0 : vector<16x32xf32>, vector<16x32xf32>, vector<16x32xf32>, vector<16x32xf32>, vector<16x32xf32>, vector<16x32xf32>, vector<16x32xf32>, vector<16x32xf32> -> vector<128x32xf32>
    %tile3A_68 = tpu.concatenate %tile3A_67, %tile3A_67, %tile3A_67, %tile3A_67, %tile3A_67, %tile3A_67, %tile3A_67, %tile3A_67 in 1 : vector<128x32xf32>, vector<128x32xf32>, vector<128x32xf32>, vector<128x32xf32>, vector<128x32xf32>, vector<128x32xf32>, vector<128x32xf32>, vector<128x32xf32> -> vector<128x256xf32>
    %iota3A_69 = tpu.iota {dimensions = array<i32: 0>} : vector<128x256xi32>
    %iota3A_70 = tpu.iota {dimensions = array<i32: 1>} : vector<128x256xi32>
    %jit3A_71 = arith.constant 16 : i32
    %div3A_72 = vector.broadcast %jit3A_71 : i32 to vector<128x256xi32>
    %div3A_73 = arith.divsi %iota3A_69, %div3A_72 : vector<128x256xi32>
    %sign3A_74 = arith.constant 0 : i32
    %sign3A_75 = vector.broadcast %sign3A_74 : i32 to vector<128x256xi32>
    %sign3A_76 = arith.cmpi sgt, %iota3A_69, %sign3A_75 : vector<128x256xi32>
    %sign3A_77 = arith.extui %sign3A_76 : vector<128x256xi1> to vector<128x256xi32>
    %sign3A_78 = arith.constant 0 : i32
    %sign3A_79 = vector.broadcast %sign3A_78 : i32 to vector<128x256xi32>
    %sign3A_80 = arith.cmpi slt, %iota3A_69, %sign3A_79 : vector<128x256xi32>
    %sign3A_81 = arith.extui %sign3A_80 : vector<128x256xi1> to vector<128x256xi32>
    %sign3A_82 = arith.subi %sign3A_77, %sign3A_81 : vector<128x256xi32>
    %sign3A_83 = arith.constant 0 : i32
    %sign3A_84 = arith.cmpi sgt, %jit3A_71, %sign3A_83 : i32
    %sign3A_85 = arith.extui %sign3A_84 : i1 to i32
    %sign3A_86 = arith.constant 0 : i32
    %sign3A_87 = arith.cmpi slt, %jit3A_71, %sign3A_86 : i32
    %sign3A_88 = arith.extui %sign3A_87 : i1 to i32
    %sign3A_89 = arith.subi %sign3A_85, %sign3A_88 : i32
    %ne3A_90 = vector.broadcast %sign3A_89 : i32 to vector<128x256xi32>
    %ne3A_91 = arith.cmpi ne, %sign3A_82, %ne3A_90 : vector<128x256xi32>
    %rem3A_92 = vector.broadcast %jit3A_71 : i32 to vector<128x256xi32>
    %rem3A_93 = arith.remsi %iota3A_69, %rem3A_92 : vector<128x256xi32>
    %ne3A_94 = arith.constant 0 : i32
    %ne3A_95 = vector.broadcast %ne3A_94 : i32 to vector<128x256xi32>
    %ne3A_96 = arith.cmpi ne, %rem3A_93, %ne3A_95 : vector<128x256xi32>
    %and3A_97 = arith.andi %ne3A_91, %ne3A_96 : vector<128x256xi1>
    %sub3A_98 = arith.constant 1 : i32
    %sub3A_99 = vector.broadcast %sub3A_98 : i32 to vector<128x256xi32>
    %sub3A_100 = arith.subi %div3A_73, %sub3A_99 : vector<128x256xi32>
    %select_n3A_101 = arith.select %and3A_97, %sub3A_100, %div3A_73 : vector<128x256xi1>, vector<128x256xi32>
    %jit3A_102 = arith.constant 32 : i32
    %div3A_103 = vector.broadcast %jit3A_102 : i32 to vector<128x256xi32>
    %div3A_104 = arith.divsi %iota3A_70, %div3A_103 : vector<128x256xi32>
    %sign3A_105 = arith.constant 0 : i32
    %sign3A_106 = vector.broadcast %sign3A_105 : i32 to vector<128x256xi32>
    %sign3A_107 = arith.cmpi sgt, %iota3A_70, %sign3A_106 : vector<128x256xi32>
    %sign3A_108 = arith.extui %sign3A_107 : vector<128x256xi1> to vector<128x256xi32>
    %sign3A_109 = arith.constant 0 : i32
    %sign3A_110 = vector.broadcast %sign3A_109 : i32 to vector<128x256xi32>
    %sign3A_111 = arith.cmpi slt, %iota3A_70, %sign3A_110 : vector<128x256xi32>
    %sign3A_112 = arith.extui %sign3A_111 : vector<128x256xi1> to vector<128x256xi32>
    %sign3A_113 = arith.subi %sign3A_108, %sign3A_112 : vector<128x256xi32>
    %sign3A_114 = arith.constant 0 : i32
    %sign3A_115 = arith.cmpi sgt, %jit3A_102, %sign3A_114 : i32
    %sign3A_116 = arith.extui %sign3A_115 : i1 to i32
    %sign3A_117 = arith.constant 0 : i32
    %sign3A_118 = arith.cmpi slt, %jit3A_102, %sign3A_117 : i32
    %sign3A_119 = arith.extui %sign3A_118 : i1 to i32
    %sign3A_120 = arith.subi %sign3A_116, %sign3A_119 : i32
    %ne3A_121 = vector.broadcast %sign3A_120 : i32 to vector<128x256xi32>
    %ne3A_122 = arith.cmpi ne, %sign3A_113, %ne3A_121 : vector<128x256xi32>
    %rem3A_123 = vector.broadcast %jit3A_102 : i32 to vector<128x256xi32>
    %rem3A_124 = arith.remsi %iota3A_70, %rem3A_123 : vector<128x256xi32>
    %ne3A_125 = arith.constant 0 : i32
    %ne3A_126 = vector.broadcast %ne3A_125 : i32 to vector<128x256xi32>
    %ne3A_127 = arith.cmpi ne, %rem3A_124, %ne3A_126 : vector<128x256xi32>
    %and3A_128 = arith.andi %ne3A_122, %ne3A_127 : vector<128x256xi1>
    %sub3A_129 = arith.constant 1 : i32
    %sub3A_130 = vector.broadcast %sub3A_129 : i32 to vector<128x256xi32>
    %sub3A_131 = arith.subi %div3A_104, %sub3A_130 : vector<128x256xi32>
    %select_n3A_132 = arith.select %and3A_128, %sub3A_131, %div3A_104 : vector<128x256xi1>, vector<128x256xi32>
    %eq3A_133 = arith.cmpi eq, %select_n3A_101, %select_n3A_132 : vector<128x256xi32>
    %jit3A_134 = arith.constant 0.000000e+00 : f32
    %broadcast_in_dim3A_135 = vector.broadcast %jit3A_134 : f32 to vector<128x256xf32>
    %select_n3A_136 = arith.select %eq3A_133, %tile3A_68, %broadcast_in_dim3A_135 : vector<128x256xi1>, vector<128x256xf32>
    %get3A_137 = arith.constant 0 : index
    %get3A_138 = arith.constant 0 : index
    %get3A_139 = vector.load %arg7[%get3A_137, %get3A_138] : memref<2x16xf32, #tpu.memory_space<vmem>>, vector<2x16xf32>
    %tile3A_140 = tpu.concatenate %get3A_139, %get3A_139, %get3A_139, %get3A_139, %get3A_139, %get3A_139, %get3A_139, %get3A_139 in 0 : vector<2x16xf32>, vector<2x16xf32>, vector<2x16xf32>, vector<2x16xf32>, vector<2x16xf32>, vector<2x16xf32>, vector<2x16xf32>, vector<2x16xf32> -> vector<16x16xf32>
    %tile3A_141 = tpu.concatenate %tile3A_140, %tile3A_140, %tile3A_140, %tile3A_140, %tile3A_140, %tile3A_140, %tile3A_140, %tile3A_140 in 1 : vector<16x16xf32>, vector<16x16xf32>, vector<16x16xf32>, vector<16x16xf32>, vector<16x16xf32>, vector<16x16xf32>, vector<16x16xf32>, vector<16x16xf32> -> vector<16x128xf32>
    %iota3A_142 = tpu.iota {dimensions = array<i32: 0>} : vector<16x128xi32>
    %iota3A_143 = tpu.iota {dimensions = array<i32: 1>} : vector<16x128xi32>
    %jit3A_144 = arith.constant 2 : i32
    %div3A_145 = vector.broadcast %jit3A_144 : i32 to vector<16x128xi32>
    %div3A_146 = arith.divsi %iota3A_142, %div3A_145 : vector<16x128xi32>
    %sign3A_147 = arith.constant 0 : i32
    %sign3A_148 = vector.broadcast %sign3A_147 : i32 to vector<16x128xi32>
    %sign3A_149 = arith.cmpi sgt, %iota3A_142, %sign3A_148 : vector<16x128xi32>
    %sign3A_150 = arith.extui %sign3A_149 : vector<16x128xi1> to vector<16x128xi32>
    %sign3A_151 = arith.constant 0 : i32
    %sign3A_152 = vector.broadcast %sign3A_151 : i32 to vector<16x128xi32>
    %sign3A_153 = arith.cmpi slt, %iota3A_142, %sign3A_152 : vector<16x128xi32>
    %sign3A_154 = arith.extui %sign3A_153 : vector<16x128xi1> to vector<16x128xi32>
    %sign3A_155 = arith.subi %sign3A_150, %sign3A_154 : vector<16x128xi32>
    %sign3A_156 = arith.constant 0 : i32
    %sign3A_157 = arith.cmpi sgt, %jit3A_144, %sign3A_156 : i32
    %sign3A_158 = arith.extui %sign3A_157 : i1 to i32
    %sign3A_159 = arith.constant 0 : i32
    %sign3A_160 = arith.cmpi slt, %jit3A_144, %sign3A_159 : i32
    %sign3A_161 = arith.extui %sign3A_160 : i1 to i32
    %sign3A_162 = arith.subi %sign3A_158, %sign3A_161 : i32
    %ne3A_163 = vector.broadcast %sign3A_162 : i32 to vector<16x128xi32>
    %ne3A_164 = arith.cmpi ne, %sign3A_155, %ne3A_163 : vector<16x128xi32>
    %rem3A_165 = vector.broadcast %jit3A_144 : i32 to vector<16x128xi32>
    %rem3A_166 = arith.remsi %iota3A_142, %rem3A_165 : vector<16x128xi32>
    %ne3A_167 = arith.constant 0 : i32
    %ne3A_168 = vector.broadcast %ne3A_167 : i32 to vector<16x128xi32>
    %ne3A_169 = arith.cmpi ne, %rem3A_166, %ne3A_168 : vector<16x128xi32>
    %and3A_170 = arith.andi %ne3A_164, %ne3A_169 : vector<16x128xi1>
    %sub3A_171 = arith.constant 1 : i32
    %sub3A_172 = vector.broadcast %sub3A_171 : i32 to vector<16x128xi32>
    %sub3A_173 = arith.subi %div3A_146, %sub3A_172 : vector<16x128xi32>
    %select_n3A_174 = arith.select %and3A_170, %sub3A_173, %div3A_146 : vector<16x128xi1>, vector<16x128xi32>
    %jit3A_175 = arith.constant 16 : i32
    %div3A_176 = vector.broadcast %jit3A_175 : i32 to vector<16x128xi32>
    %div3A_177 = arith.divsi %iota3A_143, %div3A_176 : vector<16x128xi32>
    %sign3A_178 = arith.constant 0 : i32
    %sign3A_179 = vector.broadcast %sign3A_178 : i32 to vector<16x128xi32>
    %sign3A_180 = arith.cmpi sgt, %iota3A_143, %sign3A_179 : vector<16x128xi32>
    %sign3A_181 = arith.extui %sign3A_180 : vector<16x128xi1> to vector<16x128xi32>
    %sign3A_182 = arith.constant 0 : i32
    %sign3A_183 = vector.broadcast %sign3A_182 : i32 to vector<16x128xi32>
    %sign3A_184 = arith.cmpi slt, %iota3A_143, %sign3A_183 : vector<16x128xi32>
    %sign3A_185 = arith.extui %sign3A_184 : vector<16x128xi1> to vector<16x128xi32>
    %sign3A_186 = arith.subi %sign3A_181, %sign3A_185 : vector<16x128xi32>
    %sign3A_187 = arith.constant 0 : i32
    %sign3A_188 = arith.cmpi sgt, %jit3A_175, %sign3A_187 : i32
    %sign3A_189 = arith.extui %sign3A_188 : i1 to i32
    %sign3A_190 = arith.constant 0 : i32
    %sign3A_191 = arith.cmpi slt, %jit3A_175, %sign3A_190 : i32
    %sign3A_192 = arith.extui %sign3A_191 : i1 to i32
    %sign3A_193 = arith.subi %sign3A_189, %sign3A_192 : i32
    %ne3A_194 = vector.broadcast %sign3A_193 : i32 to vector<16x128xi32>
    %ne3A_195 = arith.cmpi ne, %sign3A_186, %ne3A_194 : vector<16x128xi32>
    %rem3A_196 = vector.broadcast %jit3A_175 : i32 to vector<16x128xi32>
    %rem3A_197 = arith.remsi %iota3A_143, %rem3A_196 : vector<16x128xi32>
    %ne3A_198 = arith.constant 0 : i32
    %ne3A_199 = vector.broadcast %ne3A_198 : i32 to vector<16x128xi32>
    %ne3A_200 = arith.cmpi ne, %rem3A_197, %ne3A_199 : vector<16x128xi32>
    %and3A_201 = arith.andi %ne3A_195, %ne3A_200 : vector<16x128xi1>
    %sub3A_202 = arith.constant 1 : i32
    %sub3A_203 = vector.broadcast %sub3A_202 : i32 to vector<16x128xi32>
    %sub3A_204 = arith.subi %div3A_177, %sub3A_203 : vector<16x128xi32>
    %select_n3A_205 = arith.select %and3A_201, %sub3A_204, %div3A_177 : vector<16x128xi1>, vector<16x128xi32>
    %eq3A_206 = arith.cmpi eq, %select_n3A_174, %select_n3A_205 : vector<16x128xi32>
    %jit3A_207 = arith.constant 0.000000e+00 : f32
    %broadcast_in_dim3A_208 = vector.broadcast %jit3A_207 : f32 to vector<16x128xf32>
    %select_n3A_209 = arith.select %eq3A_206, %tile3A_141, %broadcast_in_dim3A_208 : vector<16x128xi1>, vector<16x128xf32>
    %iota3A_210 = tpu.iota {dimensions = array<i32: 0>} : vector<16x128xi32>
    %iota3A_211 = tpu.iota {dimensions = array<i32: 1>} : vector<16x128xi32>
    %jit3A_212 = arith.constant 2 : i32
    %div3A_213 = vector.broadcast %jit3A_212 : i32 to vector<16x128xi32>
    %div3A_214 = arith.divsi %iota3A_210, %div3A_213 : vector<16x128xi32>
    %sign3A_215 = arith.constant 0 : i32
    %sign3A_216 = vector.broadcast %sign3A_215 : i32 to vector<16x128xi32>
    %sign3A_217 = arith.cmpi sgt, %iota3A_210, %sign3A_216 : vector<16x128xi32>
    %sign3A_218 = arith.extui %sign3A_217 : vector<16x128xi1> to vector<16x128xi32>
    %sign3A_219 = arith.constant 0 : i32
    %sign3A_220 = vector.broadcast %sign3A_219 : i32 to vector<16x128xi32>
    %sign3A_221 = arith.cmpi slt, %iota3A_210, %sign3A_220 : vector<16x128xi32>
    %sign3A_222 = arith.extui %sign3A_221 : vector<16x128xi1> to vector<16x128xi32>
    %sign3A_223 = arith.subi %sign3A_218, %sign3A_222 : vector<16x128xi32>
    %sign3A_224 = arith.constant 0 : i32
    %sign3A_225 = arith.cmpi sgt, %jit3A_212, %sign3A_224 : i32
    %sign3A_226 = arith.extui %sign3A_225 : i1 to i32
    %sign3A_227 = arith.constant 0 : i32
    %sign3A_228 = arith.cmpi slt, %jit3A_212, %sign3A_227 : i32
    %sign3A_229 = arith.extui %sign3A_228 : i1 to i32
    %sign3A_230 = arith.subi %sign3A_226, %sign3A_229 : i32
    %ne3A_231 = vector.broadcast %sign3A_230 : i32 to vector<16x128xi32>
    %ne3A_232 = arith.cmpi ne, %sign3A_223, %ne3A_231 : vector<16x128xi32>
    %rem3A_233 = vector.broadcast %jit3A_212 : i32 to vector<16x128xi32>
    %rem3A_234 = arith.remsi %iota3A_210, %rem3A_233 : vector<16x128xi32>
    %ne3A_235 = arith.constant 0 : i32
    %ne3A_236 = vector.broadcast %ne3A_235 : i32 to vector<16x128xi32>
    %ne3A_237 = arith.cmpi ne, %rem3A_234, %ne3A_236 : vector<16x128xi32>
    %and3A_238 = arith.andi %ne3A_232, %ne3A_237 : vector<16x128xi1>
    %sub3A_239 = arith.constant 1 : i32
    %sub3A_240 = vector.broadcast %sub3A_239 : i32 to vector<16x128xi32>
    %sub3A_241 = arith.subi %div3A_214, %sub3A_240 : vector<16x128xi32>
    %select_n3A_242 = arith.select %and3A_238, %sub3A_241, %div3A_214 : vector<16x128xi1>, vector<16x128xi32>
    %mul3A = arith.constant 16 : i32
    %mul3A_243 = vector.broadcast %mul3A : i32 to vector<16x128xi32>
    %mul3A_244 = arith.muli %mul3A_243, %select_n3A_242 : vector<16x128xi32>
    %jit3A_245 = arith.constant 2 : i32
    %eq3A_246 = arith.constant 0 : i32
    %eq3A_247 = arith.cmpi eq, %jit3A_245, %eq3A_246 : i32
    %jit3A_248 = arith.constant 1 : i32
    %select_n3A_249 = arith.select %eq3A_247, %jit3A_248, %jit3A_245 : i32
    %rem3A_250 = vector.broadcast %select_n3A_249 : i32 to vector<16x128xi32>
    %rem3A_251 = arith.remsi %iota3A_210, %rem3A_250 : vector<16x128xi32>
    %ne3A_252 = arith.constant 0 : i32
    %ne3A_253 = vector.broadcast %ne3A_252 : i32 to vector<16x128xi32>
    %ne3A_254 = arith.cmpi ne, %rem3A_251, %ne3A_253 : vector<16x128xi32>
    %lt3A = arith.constant 0 : i32
    %lt3A_255 = vector.broadcast %lt3A : i32 to vector<16x128xi32>
    %lt3A_256 = arith.cmpi slt, %rem3A_251, %lt3A_255 : vector<16x128xi32>
    %lt3A_257 = arith.constant 0 : i32
    %lt3A_258 = arith.cmpi slt, %select_n3A_249, %lt3A_257 : i32
    %ne3A_259 = vector.broadcast %lt3A_258 : i1 to vector<16x128xi1>
    %ne3A_260 = vector.broadcast %ne3A_259 : vector<16x128xi1> to vector<16x128xi1>
    %ne3A_261 = arith.xori %lt3A_256, %ne3A_260 : vector<16x128xi1>
    %and3A_262 = arith.andi %ne3A_261, %ne3A_254 : vector<16x128xi1>
    %add3A = vector.broadcast %select_n3A_249 : i32 to vector<16x128xi32>
    %add3A_263 = arith.addi %rem3A_251, %add3A : vector<16x128xi32>
    %select_n3A_264 = arith.select %and3A_262, %add3A_263, %rem3A_251 : vector<16x128xi1>, vector<16x128xi32>
    %add3A_265 = arith.addi %mul3A_244, %select_n3A_264 : vector<16x128xi32>
    %eq3A_266 = arith.cmpi eq, %iota3A_211, %add3A_265 : vector<16x128xi32>
    %jit3A_267 = arith.constant 1.000000e+00 : f32
    %jit3A_268 = arith.constant 0.000000e+00 : f32
    %broadcast_in_dim3A_269 = vector.broadcast %jit3A_267 : f32 to vector<16x128xf32>
    %broadcast_in_dim3A_270 = vector.broadcast %jit3A_268 : f32 to vector<16x128xf32>
    %select_n3A_271 = arith.select %eq3A_266, %broadcast_in_dim3A_269, %broadcast_in_dim3A_270 : vector<16x128xi1>, vector<16x128xf32>
    %get3A_272 = arith.constant 0 : index
    %get3A_273 = arith.constant 0 : index
    %get3A_274 = vector.load %arg4[%get3A_272, %get3A_273] : memref<1x32xf32, #tpu.memory_space<vmem>>, vector<1x32xf32>
    %tile3A_275 = tpu.concatenate %get3A_274, %get3A_274, %get3A_274, %get3A_274, %get3A_274, %get3A_274, %get3A_274, %get3A_274 in 1 : vector<1x32xf32>, vector<1x32xf32>, vector<1x32xf32>, vector<1x32xf32>, vector<1x32xf32>, vector<1x32xf32>, vector<1x32xf32>, vector<1x32xf32> -> vector<1x256xf32>
    %get3A_276 = arith.constant 0 : index
    %get3A_277 = arith.constant 0 : index
    %get3A_278 = vector.load %arg6[%get3A_276, %get3A_277] : memref<1x16xf32, #tpu.memory_space<vmem>>, vector<1x16xf32>
    %tile3A_279 = tpu.concatenate %get3A_278, %get3A_278, %get3A_278, %get3A_278, %get3A_278, %get3A_278, %get3A_278, %get3A_278 in 1 : vector<1x16xf32>, vector<1x16xf32>, vector<1x16xf32>, vector<1x16xf32>, vector<1x16xf32>, vector<1x16xf32>, vector<1x16xf32>, vector<1x16xf32> -> vector<1x128xf32>
    %get3A_280 = arith.constant 0 : index
    %get3A_281 = arith.constant 0 : index
    %get3A_282 = vector.load %arg8[%get3A_280, %get3A_281] : memref<1x2xf32, #tpu.memory_space<vmem>>, vector<1x2xf32>
    %tile3A_283 = tpu.concatenate %get3A_282, %get3A_282, %get3A_282, %get3A_282, %get3A_282, %get3A_282, %get3A_282, %get3A_282 in 1 : vector<1x2xf32>, vector<1x2xf32>, vector<1x2xf32>, vector<1x2xf32>, vector<1x2xf32>, vector<1x2xf32>, vector<1x2xf32>, vector<1x2xf32> -> vector<1x16xf32>
    %get3A_284 = arith.constant 0 : index
    %get3A_285 = arith.constant 0 : index
    %get3A_286 = vector.load %arg1[%get3A_284, %get3A_285] : memref<1024x128xf32, #tpu.memory_space<vmem>>, vector<1024x128xf32>
    %get3A_287 = arith.constant 0 : index
    %get3A_288 = arith.constant 0 : index
    %get3A_289 = vector.load %arg2[%get3A_287, %get3A_288] : memref<1024x128xf32, #tpu.memory_space<vmem>>, vector<1024x128xf32>
    %add3A_290 = arith.addf %get3A_286, %get3A_289 : vector<1024x128xf32>
    %dot_general3A = arith.constant dense<0.000000e+00> : vector<1024x256xf32>
    %dot_general3A_291 = tpu.matmul %add3A_290, %select_n3A_63, %dot_general3A {dimension_numbers = #tpu.dot_dimension_numbers<[1], [1], [0], [0], [0, 0, 1, 0], [], []>, transpose_lhs_hint = false} : vector<1024x128xf32>, vector<256x128xf32>, vector<1024x256xf32> -> vector<1024x256xf32>
    %add3A_292 = vector.broadcast %tile3A_275 : vector<1x256xf32> to vector<1024x256xf32>
    %add3A_293 = arith.addf %dot_general3A_291, %add3A_292 : vector<1024x256xf32>
    %max3A = arith.constant 0.000000e+00 : f32
    %max3A_294 = vector.broadcast %max3A : f32 to vector<1024x256xf32>
    %max3A_295 = arith.maximumf %add3A_293, %max3A_294 : vector<1024x256xf32>
    %dot_general3A_296 = arith.constant dense<0.000000e+00> : vector<1024x128xf32>
    %dot_general3A_297 = tpu.matmul %max3A_295, %select_n3A_136, %dot_general3A_296 {dimension_numbers = #tpu.dot_dimension_numbers<[1], [1], [0], [0], [0, 0, 1, 0], [], []>, transpose_lhs_hint = false} : vector<1024x256xf32>, vector<128x256xf32>, vector<1024x128xf32> -> vector<1024x128xf32>
    %add3A_298 = vector.broadcast %tile3A_279 : vector<1x128xf32> to vector<1024x128xf32>
    %add3A_299 = arith.addf %dot_general3A_297, %add3A_298 : vector<1024x128xf32>
    %max3A_300 = arith.constant 0.000000e+00 : f32
    %max3A_301 = vector.broadcast %max3A_300 : f32 to vector<1024x128xf32>
    %max3A_302 = arith.maximumf %add3A_299, %max3A_301 : vector<1024x128xf32>
    %dot_general3A_303 = arith.constant dense<0.000000e+00> : vector<1024x16xf32>
    %dot_general3A_304 = tpu.matmul %max3A_302, %select_n3A_209, %dot_general3A_303 {dimension_numbers = #tpu.dot_dimension_numbers<[1], [1], [0], [0], [0, 0, 1, 0], [], []>, transpose_lhs_hint = false} : vector<1024x128xf32>, vector<16x128xf32>, vector<1024x16xf32> -> vector<1024x16xf32>
    %dot_general3A_305 = arith.constant dense<0.000000e+00> : vector<1024x16xf32>
    %dot_general3A_306 = tpu.matmul %add3A_290, %select_n3A_271, %dot_general3A_305 {dimension_numbers = #tpu.dot_dimension_numbers<[1], [1], [0], [0], [0, 0, 1, 0], [], []>, transpose_lhs_hint = false} : vector<1024x128xf32>, vector<16x128xf32>, vector<1024x16xf32> -> vector<1024x16xf32>
    %add3A_307 = arith.addf %dot_general3A_306, %dot_general3A_304 : vector<1024x16xf32>
    %add3A_308 = vector.broadcast %tile3A_283 : vector<1x16xf32> to vector<1024x16xf32>
    %add3A_309 = arith.addf %add3A_307, %add3A_308 : vector<1024x16xf32>
    %reshape3A = vector.shape_cast %add3A_309 : vector<1024x16xf32> to vector<1024x8x2xf32>
    %swap3A = arith.constant 0 : index
    %swap3A_310 = arith.constant 0 : index
    %swap3A_311 = arith.constant 0 : index
    %swap3A_312 = vector.load %arg9[%swap3A, %swap3A_310, %swap3A_311] : memref<1024x8x2xf32, #tpu.memory_space<vmem>>, vector<1024x8x2xf32>
    tpu.vector_store %arg9[%swap3A, %swap3A_310, %swap3A_311], %reshape3A {strides = array<i32>} : memref<1024x8x2xf32, #tpu.memory_space<vmem>>, vector<1024x8x2xf32>,
    return
  }
  func.func @transform_0(%arg0: i32) -> (i32, i32) {
    %c0_i32 = arith.constant 0 : i32
    %c0_i32_0 = arith.constant 0 : i32
    return %arg0, %c0_i32 : i32, i32
  }
  func.func @transform_1(%arg0: i32) -> (i32, i32) {
    %c0_i32 = arith.constant 0 : i32
    %c0_i32_0 = arith.constant 0 : i32
    return %arg0, %c0_i32 : i32, i32
  }
  func.func @transform_2(%arg0: i32) -> (i32, i32) {
    %c0_i32 = arith.constant 0 : i32
    %c0_i32_0 = arith.constant 0 : i32
    %c0_i32_1 = arith.constant 0 : i32
    return %c0_i32, %c0_i32_0 : i32, i32
  }
  func.func @transform_3(%arg0: i32) -> (i32, i32) {
    %c0_i32 = arith.constant 0 : i32
    %c0_i32_0 = arith.constant 0 : i32
    %c0_i32_1 = arith.constant 0 : i32
    return %c0_i32, %c0_i32_0 : i32, i32
  }
  func.func @transform_4(%arg0: i32) -> (i32, i32) {
    %c0_i32 = arith.constant 0 : i32
    %c0_i32_0 = arith.constant 0 : i32
    %c0_i32_1 = arith.constant 0 : i32
    return %c0_i32, %c0_i32_0 : i32, i32
  }
  func.func @transform_5(%arg0: i32) -> (i32, i32) {
    %c0_i32 = arith.constant 0 : i32
    %c0_i32_0 = arith.constant 0 : i32
    %c0_i32_1 = arith.constant 0 : i32
    return %c0_i32, %c0_i32_0 : i32, i32
  }
  func.func @transform_6(%arg0: i32) -> (i32, i32) {
    %c0_i32 = arith.constant 0 : i32
    %c0_i32_0 = arith.constant 0 : i32
    %c0_i32_1 = arith.constant 0 : i32
    return %c0_i32, %c0_i32_0 : i32, i32
  }
  func.func @transform_7(%arg0: i32) -> (i32, i32) {
    %c0_i32 = arith.constant 0 : i32
    %c0_i32_0 = arith.constant 0 : i32
    %c0_i32_1 = arith.constant 0 : i32
    return %c0_i32, %c0_i32_0 : i32, i32
  }
  func.func @transform_8(%arg0: i32) -> (i32, i32, i32) {
    %c0_i32 = arith.constant 0 : i32
    %c0_i32_0 = arith.constant 0 : i32
    %c0_i32_1 = arith.constant 0 : i32
    return %arg0, %c0_i32, %c0_i32_0 : i32, i32, i32
  }
}

</mosaic_0001>

<sc_bundles>
// kernel: kernel.4.cloned.1.call-start
scs
__scs_entry_jumppad:
0x0: {  	(pc) =	sbr.rel $0x88, $3  }
0x1: {  	(tag) =	ssettag $0x0;
	lr =	simm.s32 $0x1  }
0x2: {  	[smem:$0x3F96] =	sst lr;
	_ =	strace $0xD0000000  }
0x3: {  	_ = 	snop  }
0x4: {  	_ = 	snop  }
0x5: {  	_ = 	snop  }
0x6: {  	_ = 	snop  }
0x7: {  	_ = 	snop  }
__scs_overlays_trampoline_lowered:
0x8: {  	[smem:$0x3FA5] =	sst s0  }
0x9: {  	[smem:$0x3FA6] =	sst s1  }
0xa: {  	[smem:$0x3FA7] =	sst s2  }
0xb: {  	[smem:$0x3FA8] =	sst s3  }
0xc: {  	[smem:$0x3FA9] =	sst s4  }
0xd: {  	[smem:$0x3FAA] =	sst s5  }
0xe: {  	[smem:$0x3FAB] =	sst s6  }
0xf: {  	[smem:$0x3FAC] =	sst s7  }
0x10: {  	[smem:$0x3FAD] =	sst s8  }
0x11: {  	[smem:$0x3FAE] =	sst s9;
	s0 =	simm.s32 @!p0 $0x0  }
0x12: {  	s1 =	sld [smem:$0x3F94];
	s0 =	simm.s32 @p0 $0x1  }
0x13: {  	[smem:$0x3FAF] =	sst s0;
	s0 =	simm.s32 @!p1 $0x0  }
0x14: {  	s2 =	sld [smem:$0x3F93];
	s0 =	simm.s32 @p1 $0x1  }
0x15: {  	[smem:$0x3FB0] =	sst s0;
	s0 =	simm.s32 @!p2 $0x0  }
0x16: {  	s3 =	sld [smem:$0x3FDB];
	s0 =	simm.s32 @p2 $0x1  }
0x17: {  	s4 =	simm.s32 $0x1BF5;
	[smem:$0x3FB2] =	sst s0  }
0x18: {  	s0 =	sld [smem:$0x3F95];
	_ =	swait.ge [sflag:s4], $0x0  }
0x19: {  	s7 =	sld [smem:$0x3F96]  }
0x1a: {  	s8 =	sadd.s32 $0xFFFFE003, lr  }
0x1b: {  	s9 =	sadd.s32 $0xFFFFFEF7, lr;
	s5 =	simm.s32 $0xFFFFFFFF;
	p2 =	slt.u32 s8, $0xFFFFF086  }
0x1c: {  	p1 =	slt.u32 s9, $0xF7A;
	s5 =	simm.s32 @!p2 $0x0  }
0x1d: {  	s5 =	simm.s32 @p1 $0x1;
	p0 =	seq.s32 s7, s2  }
0x1e: {  	s7 =	smul.u32 @!p0 $0xF7A, s2;
	p2 =	seq.s32 @!p0 s5, $0x0  }
0x1f: {  	s9 =	smul.u32 $0xF7A, s1;
	s8 =	simm.s32 @!p0 $0x1BF5;
	p2 =	por !p2, p0  }
0x20: {  	[sflag:s8] =	ssyncset.s32 @!p0 $0xFFFFF086;
	s6 =	sadd.s32 @!p0 s3, s7;
	s7 =	simm.s32 @!p0 $0x108  }
0x21: {  	s3 =	sadd.s32 s3, s9;
	s6 =	sadd.s32 @!p0 $0x88, s6;
	s7 =	simm.s32 @p2 $0x1082  }
0x22: {  	[simem:s7], [sflag:s8] =	dma.local @!p0 [hbm:s6], $0xF7A  }
0x23: {  	s9 =	sor.u32 $0xD0000000, s2;
	s6 =	simm.s32 $0x108;
	_ =	swait.ge @!p0 [sflag:s8], $0x0  }
0x24: {  	s3 =	sadd.s32 $0x88, s3;
	s6 =	simm.s32 @!p1 $0x1082;
	[sflag:s4] =	ssyncset.s32 $0xFFFFF086  }
0x25: {  	[simem:s6], [sflag:s4] =	dma.local [hbm:s3], $0xF7A  }
0x26: {  	[smem:$0x3F96] =	sst s1;
	(tag) =	ssettag s2;
	_ =	strace s9  }
0x27: {  	s1 =	sld [smem:$0x3FA6]  }
0x28: {  	s2 =	sld [smem:$0x3FA7]  }
0x29: {  	s4 =	sld [smem:$0x3FA9]  }
0x2a: {  	p0 =	seq.s32 s5, $0x0;
	s5 =	sld [smem:$0x3FAA]  }
0x2b: {  	s6 =	sld [smem:$0x3FAB]  }
0x2c: {  	s7 =	sld [smem:$0x3FAC]  }
0x2d: {  	s3 =	simm.s32 $0x108;
	s8 =	sld [smem:$0x3FAD]  }
0x2e: {  	s3 =	simm.s32 @!p0 $0x1082;
	s9 =	sld [smem:$0x3FAE]  }
0x2f: {  	lr =	sadd.s32 s0, s3;
	s0 =	sld [smem:$0x3FA5]  }
0x30: {  	s3 =	sld [smem:$0x3FA8]  }
0x31: {  	[smem:$0x3FB1] =	sst s10  }
0x32: {  	s10 =	sld [smem:$0x3FAF];
	_ =	sdelay $0x3  }
0x33: {  	p0 =	seq.s32 s10, $0x1;
	s10 =	sld [smem:$0x3FB1];
	_ =	sdelay $0x3  }
0x34: {  	[smem:$0x3FB1] =	sst s10  }
0x35: {  	s10 =	sld [smem:$0x3FB0];
	_ =	sdelay $0x3  }
0x36: {  	p1 =	seq.s32 s10, $0x1;
	s10 =	sld [smem:$0x3FB1];
	_ =	sdelay $0x3  }
0x37: {  	[smem:$0x3FB1] =	sst s10  }
0x38: {  	s10 =	sld [smem:$0x3FB2]  }
0x39: {  	_ = 	snop;
	(pc) =	sbr.ind lr, $3  }
0x3a: {  	_ = 	snop  }
0x3b: {  	_ = 	snop  }
0x3c: {  	p2 =	seq.s32 s10, $0x1;
	s10 =	sld [smem:$0x3FB1]  }
0x3d: {  	_ =	shalt  }
0x3e: {  	_ =	shalt  }
0x3f: {  	_ =	shalt  }
0x40: {  	_ =	shalt  }
0x41: {  	_ =	shalt  }
0x42: {  	_ =	shalt  }
0x43: {  	_ =	shalt  }
0x44: {  	_ =	shalt  }
0x45: {  	_ =	shalt  }
0x46: {  	_ =	shalt  }
0x47: {  	_ =	shalt  }
0x48: {  	_ =	shalt  }
0x49: {  	_ =	shalt  }
0x4a: {  	_ =	shalt  }
0x4b: {  	_ =	shalt  }
0x4c: {  	_ =	shalt  }
0x4d: {  	_ =	shalt  }
0x4e: {  	_ =	shalt  }
0x4f: {  	_ =	shalt  }
0x50: {  	_ =	shalt  }
0x51: {  	_ =	shalt  }
0x52: {  	_ =	shalt  }
0x53: {  	_ =	shalt  }
0x54: {  	_ =	shalt  }
0x55: {  	_ =	shalt  }
0x56: {  	_ =	shalt  }
0x57: {  	_ =	shalt  }
0x58: {  	_ =	shalt  }
0x59: {  	_ =	shalt  }
0x5a: {  	_ =	shalt  }
0x5b: {  	_ =	shalt  }
0x5c: {  	_ =	shalt  }
0x5d: {  	_ =	shalt  }
0x5e: {  	_ =	shalt  }
0x5f: {  	_ =	shalt  }
0x60: {  	_ =	shalt  }
0x61: {  	_ =	shalt  }
0x62: {  	_ =	shalt  }
0x63: {  	_ =	shalt  }
0x64: {  	_ =	shalt  }
0x65: {  	_ =	shalt  }
0x66: {  	_ =	shalt  }
0x67: {  	_ =	shalt  }
0x68: {  	_ =	shalt  }
0x69: {  	_ =	shalt  }
0x6a: {  	_ =	shalt  }
0x6b: {  	_ =	shalt  }
0x6c: {  	_ =	shalt  }
0x6d: {  	_ =	shalt  }
0x6e: {  	_ =	shalt  }
0x6f: {  	_ =	shalt  }
0x70: {  	_ =	shalt  }
0x71: {  	_ =	shalt  }
0x72: {  	_ =	shalt  }
0x73: {  	_ =	shalt  }
0x74: {  	_ =	shalt  }
0x75: {  	_ =	shalt  }
0x76: {  	_ =	shalt  }
0x77: {  	_ =	shalt  }
0x78: {  	_ =	shalt  }
0x79: {  	_ =	shalt  }
0x7a: {  	_ =	shalt  }
0x7b: {  	_ =	shalt  }
0x7c: {  	_ =	shalt  }
0x7d: {  	_ =	shalt  }
0x7e: {  	_ =	shalt  }
0x7f: {  	_ =	shalt  }
0x80: {  	_ =	shalt  }
0x81: {  	_ =	shalt  }
0x82: {  	_ =	shalt  }
0x83: {  	_ =	shalt  }
0x84: {  	_ =	shalt  }
0x85: {  	_ =	shalt  }
0x86: {  	_ =	shalt  }
0x87: {  	_ =	shalt  }
.Lfunc_end0:
.L_simem_size_0:
called_computation_lowered:
.L_overlay_start_0:
0x88: {  	s2 =	sld [smem:$0x3FD9]  }
0x89: {  	s3 =	sld [smem:$0x3FFE];
	_ =	sdelay $0x1  }
0x8a: {  	s1 =	srdreg.scid  }
0x8b: {  	s0 =	sand.u32 $0x1, s1  }
0x8c: {  	s14 =	sshll.u32 s0, $0xA;
	s2 =	sadd.s32 s3, s2  }
0x8d: {  	s2 =	sadd.s32 s2, s14  }
0x8e: {  	[smem:$0x3FBD] =	sst s2  }
0x8f: {  	_ = 	snop  }
0x90: {  	s2 =	sld [smem:$0x3FD0];
	_ =	sdelay $0x2  }
0x91: {  	s4 =	simm.s32 $0xA;
	s5 =	simm.s32 $0x10;
	s15 =	sld [smem:$0x3FC9]  }
0x92: {  	[smem:s5], [sflag:s4] =	dma.local [hbm:s2], $0x1  }
0x93: {  	_ =	swait.eq [sflag:s4], $0x1  }
0x94: {  	[sflag:s4] =	ssyncset.done $0x0  }
0x95: {  	[sflag:s4] =	ssyncadd.s32 $0xFFFFFFFF  }
0x96: {  	s16 =	sld [smem:$0x10];
	(tm) =	ssettm $0x1  }
0x97: {  	s17 =	sld [smem:$0x3FFB];
	_ =	sdelay $0x3  }
0x98: {  	_ =	strace s17  }
0x99: {  	s4 =	sld [smem:$0x3FFC];
	_ =	sdelay $0x3  }
0x9a: {  	_ =	strace s4  }
0x9b: {  	s4 =	sld [smem:$0x3FFD];
	_ =	sdelay $0x3  }
0x9c: {  	_ =	strace s4  }
0x9d: {  	_ =	strace $0x8FFFFFFF  }
0x9e: {  	s18 =	sld [smem:$0x3FDB];
	_ =	sdelay $0x1  }
0x9f: {  	s19 =	simm.s32 $_scs_section_size  }
0xa0: {  	s6 =	simm.s32 $_size__tile_overlayer_lowered;
	s7 =	simm.s32 $_tile_overlayer_lowered  }
0xa1: {  	s22 =	simm.s32 $0x1BFF;
	s21 =	sshll.u32 s7, $0x1;
	s4 =	sadd.s32 s19, s18  }
0xa2: {  	s8 =	simm.s32 $0x0;
	s20 =	sshll.u32 s6, $0x1;
	s6 =	sadd.s32 s21, s4  }
0xa3: {  	[timem:s8], [sflag:s22] =	dma.local [hbm:s6], s20  }
0xa4: {  	_ =	swait.ge [sflag:s22], s20  }
0xa5: {  	s5 =	ssub.s32 $0x0, s20;
	[sflag:s22] =	ssyncset.done $0x0  }
0xa6: {  	[sflag:s22] =	ssyncadd.s32 s5;
	_ =	sdelay $0x1  }
0xa7: {  	s23 =	simm.s32 $0x1B8B  }
0xa8: {  	_ =	swait.ge [sflag:s23], $0x1  }
0xa9: {  	[sflag:s23] =	ssyncset.done $0x0  }
0xaa: {  	s25 =	simm.s32 $0x1B8E;
	s24 =	sld [smem:$0x3FFE];
	[sflag:s23] =	ssyncadd.s32 $0xFFFFFFFF  }
0xab: {  	s26 =	simm.s32 $execute0_lowered;
	[smem:$0x3FD2] =	sst s25  }
0xac: {  	s6 =	sshll.u32 s26, $0x1;
	_ =	strace $0x80000046;
	[dreg:$0x1] =	wrdreg $0xFFFFFFFF  }
0xad: {  	s28 =	simm.s32 $_size_execute0_lowered;
	s4 =	sadd.s32 s4, s6;
	[dreg:$0x0] =	wrdreg $0x0  }
0xae: {  	s6 =	sshll.u32 s28, $0x1;
	[dreg:$0x2] =	wrdreg s4  }
0xaf: {  	[dreg:$0x3] =	wrdreg s6  }
0xb0: {  	[dreg:$0x4] =	wrdreg $0xC0  }
0xb1: {  	_ =	task [dreg:s8], $0x5FFFF  }
0xb2: {  	[dreg:$0x1] =	wrdreg $0xFFFFFFFF  }
0xb3: {  	[dreg:$0x0] =	wrdreg $0x60  }
0xb4: {  	[dreg:$0x2] =	wrdreg s16  }
0xb5: {  	[dreg:$0x3] =	wrdreg s15  }
0xb6: {  	[dreg:$0x4] =	wrdreg s24  }
0xb7: {  	[dreg:$0x5] =	wrdreg $0x9  }
0xb8: {  	_ =	task.clear_ibuf [dreg:s8], $0x6FFFF;
	_ =	strace $0x90000046  }
0xb9: {  	s29 =	simm.s32 $0x9;
	_ =	strace $0x80000048  }
0xba: {  	_ =	swait.ge [sflag:s29], $0x1  }
0xbb: {  	[sflag:s29] =	ssyncadd.s32 $0xFFFFFFFF  }
0xbc: {  	_ =	strace $0x90000048  }
0xbd: {  	_ =	sfence  }
0xbe: {  	s30 =	sld [smem:$0x0];
	_ =	sdelay $0x2  }
0xbf: {  	s31 =	sshll.u32 s1, $0xD;
	s1 =	sshrl.u32 s1, $0x2  }
0xc0: {  	s3 =	sand.u32 $0x4000, s31;
	s1 =	sadd.s32 s1, s30  }
0xc1: {  	s0 =	sor.u32 s3, s0;
	s1 =	sshll.u32 s1, $0x11  }
0xc2: {  	s0 =	sor.u32 s1, s0  }
0xc3: {  	s0 =	sadd.s32 $0x8F2B, s0  }
0xc4: {  	[sflag:s0] =	ssyncadd.remote.s32 $0x1  }
0xc5: {  	_ =	sfence.sel $0xFFFF  }
0xc6: {  	[dreg:$0x0] =	wrdreg $0xFFFFFFFF;
	(pc) =	sbr.abs _section_cstart, $3  }
0xc7: {  	[dreg:$0x1] =	wrdreg $0xFFFFFFFF  }
0xc8: {  	_ =	task.clear_ibuf [dreg:s8], $0x2FFFF;
	_ =	strace $0x9FFFFFFF  }
0xc9: {  	(tm) =	ssettm $0x7FFFFFFF  }
tec
execute0_lowered:
.L_overlay_start_1:
0x0: {  	(tag) =	ssettag $0x1  }
0x1: {  	s1 =	rddreg [dreg:$0x0];
	s2 =	srdreg.scid  }
0x2: {  	s9 =	rddreg [dreg:$0x1];
	s0 =	stileid.u32  }
0x3: {  	s20 =	rddreg [dreg:$0x2];
	s3 =	simm.s32 $0x0;
	s28 =	sand.u32 $0x1, s2  }
0x4: {  	s4 =	sshll.u32 s0, $0xA;
	s2 =	rddreg [dreg:$0x3];
	s5 =	sshll.u32 s28, $0x9  }
0x5: {  	s6 =	simm.s32 $0x80;
	[smem:$0x7FF] =	sst s3;
	s21 =	sor.u32 s5, s4  }
0x6: {  	_ =	strace $0x80000047;
	s22 =	sor.u32 $0x80, s21;
	s4 =	sshrl.u32 s21, $0x3  }
0x7: {  	s24 =	sor.u32 $0x100, s21;
	s29 =	sshrl.u32 s22, $0x3;
	s4 =	sadd.s32 s9, s4  }
0x8: {  	[tilespmem:s3], [sflag:$0x1] =	stream.linear.gather [hbm4b:s4+s3], $0x80, $0x38;
	[tilespmem:$0x2200] =	vst v63  }
0x9: {  	s26 =	sor.u32 $0x180, s21;
	s7 =	sshrl.u32 s24, $0x3;
	s5 =	sadd.s32 s9, s29  }
0xa: {  	[tilespmem:s6], [sflag:$0x2] =	stream.linear.gather [hbm4b:s5+s3], $0x80, $0x38;
	[tilespmem:$0x2200] =	vst v63  }
0xb: {  	s8 =	simm.s32 $0x100;
	s10 =	sshrl.u32 s26, $0x3;
	s7 =	sadd.s32 s9, s7  }
0xc: {  	[tilespmem:s8], [sflag:$0x3] =	stream.linear.gather [hbm4b:s7+s3], $0x80, $0x38;
	[tilespmem:$0x2200] =	vst v63  }
0xd: {  	s11 =	simm.s32 $0x1;
	s9 =	sadd.s32 s9, s10;
	s10 =	simm.s32 $0x180  }
0xe: {  	[tilespmem:s10], [sflag:$0x4] =	stream.linear.gather [hbm4b:s9+s3], $0x80, $0x38;
	[tilespmem:$0x2200] =	vst v63  }
0xf: {  	_ =	swait.ge [sflag:s11], $0x80  }
0x10: {  	[sflag:s11] =	ssyncset.done $0x0  }
0x11: {  	s12 =	simm.s32 $0x200;
	s13 =	simm.s32 $0x2;
	[sflag:s11] =	ssyncadd.s32 $0xFFFFFF80  }
0x12: {  	[tilespmem:s12], [sflag:$0x5] =	stream.indirect.gather [hbm4b:s1+s6], $0x10, s3, s6, $0xb8;
	[tilespmem:$0x2200] =	vst v63  }
0x13: {  	_ =	swait.ge [sflag:s13], $0x80  }
0x14: {  	[sflag:s13] =	ssyncset.done $0x0  }
0x15: {  	s14 =	simm.s32 $0xA00;
	s15 =	simm.s32 $0x3;
	[sflag:s13] =	ssyncadd.s32 $0xFFFFFF80  }
0x16: {  	[tilespmem:s14], [sflag:$0x6] =	stream.indirect.gather [hbm4b:s1+s6], $0x10, s6, s6, $0xb8;
	[tilespmem:$0x2200] =	vst v63  }
0x17: {  	_ =	swait.ge [sflag:s15], $0x80  }
0x18: {  	[sflag:s15] =	ssyncset.done $0x0  }
0x19: {  	s17 =	simm.s32 $0x1200;
	s16 =	simm.s32 $0x4;
	[sflag:s15] =	ssyncadd.s32 $0xFFFFFF80  }
0x1a: {  	[tilespmem:s17], [sflag:$0x7] =	stream.indirect.gather [hbm4b:s1+s6], $0x10, s8, s6, $0xb8;
	[tilespmem:$0x2200] =	vst v63  }
0x1b: {  	_ =	swait.ge [sflag:s16], $0x80  }
0x1c: {  	[sflag:s16] =	ssyncset.done $0x0  }
0x1d: {  	s18 =	simm.s32 $0x1A00;
	s19 =	simm.s32 $0x5;
	[sflag:s16] =	ssyncadd.s32 $0xFFFFFF80  }
0x1e: {  	[tilespmem:s18], [sflag:$0x8] =	stream.indirect.gather [hbm4b:s1+s6], $0x10, s10, s6, $0xb8;
	[tilespmem:$0x2200] =	vst v63  }
0x1f: {  	_ =	swait.ge [sflag:s19], $0x800  }
0x20: {  	s30 =	sshll.u32 s21, $0x1;
	s29 =	sadd.s32 $0x1400, s20;
	[sflag:s19] =	ssyncset.done $0x0  }
0x21: {  	s21 =	simm.s32 $0x6;
	s20 =	sadd.s32 s29, s30;
	[sflag:s19] =	ssyncadd.s32 $0xFFFFF800  }
0x22: {  	[hbm4b:s20+s3] =	stream.linear.scatter [tilespmem:s12], [sflag:$0x1], $0x800, $0x38;
	[tilespmem:$0x2200] =	vst v63  }
0x23: {  	_ =	swait.ge [sflag:s21], $0x800  }
0x24: {  	s22 =	sshll.u32 s22, $0x1;
	[sflag:s21] =	ssyncset.done $0x0  }
0x25: {  	s23 =	simm.s32 $0x7;
	s22 =	sadd.s32 s29, s22;
	[sflag:s21] =	ssyncadd.s32 $0xFFFFF800  }
0x26: {  	[hbm4b:s22+s3] =	stream.linear.scatter [tilespmem:s14], [sflag:$0x2], $0x800, $0x38;
	[tilespmem:$0x2200] =	vst v63  }
0x27: {  	_ =	swait.ge [sflag:s23], $0x800  }
0x28: {  	s24 =	sshll.u32 s24, $0x1;
	[sflag:s23] =	ssyncset.done $0x0  }
0x29: {  	s25 =	simm.s32 $0x8;
	s24 =	sadd.s32 s29, s24;
	[sflag:s23] =	ssyncadd.s32 $0xFFFFF800  }
0x2a: {  	[hbm4b:s24+s3] =	stream.linear.scatter [tilespmem:s17], [sflag:$0x3], $0x800, $0x38;
	[tilespmem:$0x2200] =	vst v63  }
0x2b: {  	_ =	swait.ge [sflag:s25], $0x800  }
0x2c: {  	s26 =	sshll.u32 s26, $0x1;
	[sflag:s25] =	ssyncset.done $0x0  }
0x2d: {  	s26 =	sadd.s32 s29, s26;
	[sflag:s25] =	ssyncadd.s32 $0xFFFFF800  }
0x2e: {  	[hbm4b:s26+s3] =	stream.linear.scatter [tilespmem:s18], [sflag:$0x4], $0x800, $0x38;
	[tilespmem:$0x2200] =	vst v63  }
0x2f: {  	_ =	swait.ge [sflag:s11], $0x800  }
0x30: {  	s28 =	ssub.s32 $0x2, s28;
	[sflag:s11] =	ssyncset.done $0x0  }
0x31: {  	s31 =	sshrl.u32 s28, $0x1;
	[sflag:s11] =	ssyncadd.s32 $0xFFFFF800  }
0x32: {  	s28 =	ssub.s32 s28, s31;
	_ =	swait.ge [sflag:s13], $0x800  }
0x33: {  	s28 =	smax.u32 s28, $0x1;
	[sflag:s13] =	ssyncset.done $0x0  }
0x34: {  	p0 =	sne.s32 s28, $0x1;
	[sflag:s13] =	ssyncadd.s32 $0xFFFFF800  }
.Ltmp0:
0x35: {  	_ =	swait.ge [sflag:s15], $0x800;
	(pc) =	sbr.rel @!p0 .LBB2_2-.Ltmp0, $4  }
0x36: {  	[sflag:s15] =	ssyncset.done $0x0  }
0x37: {  	[sflag:s15] =	ssyncadd.s32 $0xFFFFF800  }
0x38: {  	_ =	swait.ge [sflag:s16], $0x800  }
0x39: {  	s28 =	sadd.s32 $0xFFFFFFFF, s28;
	[sflag:s16] =	ssyncset.done $0x0  }
.LBB2_1:
0x3a: {  	p0 =	sne.s32 s28, $0x1;
	s28 =	sadd.s32 $0xFFFFFFFF, s28;
	[sflag:s16] =	ssyncadd.s32 $0xFFFFF800  }
0x3b: {  	[tilespmem:s3], [sflag:$0x1] =	stream.linear.gather [hbm4b:s4+s3], $0x80, $0x38;
	[tilespmem:$0x2200] =	vst v63  }
0x3c: {  	_ = 	snop  }
0x3d: {  	[tilespmem:s6], [sflag:$0x2] =	stream.linear.gather [hbm4b:s5+s3], $0x80, $0x38;
	[tilespmem:$0x2200] =	vst v63  }
0x3e: {  	_ = 	snop  }
0x3f: {  	[tilespmem:s8], [sflag:$0x3] =	stream.linear.gather [hbm4b:s7+s3], $0x80, $0x38;
	[tilespmem:$0x2200] =	vst v63  }
0x40: {  	_ = 	snop  }
0x41: {  	[tilespmem:s10], [sflag:$0x4] =	stream.linear.gather [hbm4b:s9+s3], $0x80, $0x38;
	[tilespmem:$0x2200] =	vst v63  }
0x42: {  	_ =	swait.ge [sflag:s11], $0x80  }
0x43: {  	[sflag:s11] =	ssyncset.done $0x0  }
0x44: {  	[sflag:s11] =	ssyncadd.s32 $0xFFFFFF80  }
0x45: {  	[tilespmem:s12], [sflag:$0x5] =	stream.indirect.gather [hbm4b:s1+s6], $0x10, s3, s6, $0xb8;
	[tilespmem:$0x2200] =	vst v63  }
0x46: {  	_ =	swait.ge [sflag:s13], $0x80  }
0x47: {  	[sflag:s13] =	ssyncset.done $0x0  }
0x48: {  	[sflag:s13] =	ssyncadd.s32 $0xFFFFFF80  }
0x49: {  	[tilespmem:s14], [sflag:$0x6] =	stream.indirect.gather [hbm4b:s1+s6], $0x10, s6, s6, $0xb8;
	[tilespmem:$0x2200] =	vst v63  }
0x4a: {  	_ =	swait.ge [sflag:s15], $0x80  }
0x4b: {  	[sflag:s15] =	ssyncset.done $0x0  }
0x4c: {  	[sflag:s15] =	ssyncadd.s32 $0xFFFFFF80  }
0x4d: {  	[tilespmem:s17], [sflag:$0x7] =	stream.indirect.gather [hbm4b:s1+s6], $0x10, s8, s6, $0xb8;
	[tilespmem:$0x2200] =	vst v63  }
0x4e: {  	_ =	swait.ge [sflag:s16], $0x80  }
0x4f: {  	[sflag:s16] =	ssyncset.done $0x0  }
0x50: {  	[sflag:s16] =	ssyncadd.s32 $0xFFFFFF80  }
0x51: {  	[tilespmem:s18], [sflag:$0x8] =	stream.indirect.gather [hbm4b:s1+s6], $0x10, s10, s6, $0xb8;
	[tilespmem:$0x2200] =	vst v63  }
0x52: {  	_ =	swait.ge [sflag:s19], $0x800  }
0x53: {  	[sflag:s19] =	ssyncset.done $0x0  }
0x54: {  	[sflag:s19] =	ssyncadd.s32 $0xFFFFF800  }
0x55: {  	[hbm4b:s20+s3] =	stream.linear.scatter [tilespmem:s12], [sflag:$0x1], $0x800, $0x38;
	[tilespmem:$0x2200] =	vst v63  }
0x56: {  	_ =	swait.ge [sflag:s21], $0x800  }
0x57: {  	[sflag:s21] =	ssyncset.done $0x0  }
0x58: {  	[sflag:s21] =	ssyncadd.s32 $0xFFFFF800  }
0x59: {  	[hbm4b:s22+s3] =	stream.linear.scatter [tilespmem:s14], [sflag:$0x2], $0x800, $0x38;
	[tilespmem:$0x2200] =	vst v63  }
0x5a: {  	_ =	swait.ge [sflag:s23], $0x800  }
0x5b: {  	[sflag:s23] =	ssyncset.done $0x0  }
0x5c: {  	[sflag:s23] =	ssyncadd.s32 $0xFFFFF800  }
0x5d: {  	[hbm4b:s24+s3] =	stream.linear.scatter [tilespmem:s17], [sflag:$0x3], $0x800, $0x38;
	[tilespmem:$0x2200] =	vst v63  }
0x5e: {  	_ =	swait.ge [sflag:s25], $0x800  }
0x5f: {  	[sflag:s25] =	ssyncset.done $0x0  }
0x60: {  	[sflag:s25] =	ssyncadd.s32 $0xFFFFF800  }
0x61: {  	[hbm4b:s26+s3] =	stream.linear.scatter [tilespmem:s18], [sflag:$0x4], $0x800, $0x38;
	[tilespmem:$0x2200] =	vst v63  }
0x62: {  	_ =	swait.ge [sflag:s11], $0x800  }
0x63: {  	[sflag:s11] =	ssyncset.done $0x0  }
0x64: {  	[sflag:s11] =	ssyncadd.s32 $0xFFFFF800  }
0x65: {  	_ =	swait.ge [sflag:s13], $0x800  }
0x66: {  	[sflag:s13] =	ssyncset.done $0x0  }
0x67: {  	[sflag:s13] =	ssyncadd.s32 $0xFFFFF800  }
.Ltmp1:
0x68: {  	_ =	swait.ge [sflag:s15], $0x800;
	(pc) =	sbr.rel @p0 .LBB2_1-.Ltmp1, $4  }
0x69: {  	[sflag:s15] =	ssyncset.done $0x0  }
0x6a: {  	[sflag:s15] =	ssyncadd.s32 $0xFFFFF800  }
0x6b: {  	_ =	swait.ge [sflag:s16], $0x800  }
0x6c: {  	[sflag:s16] =	ssyncset.done $0x0  }
.LBB2_2:
0x6d: {  	[sflag:s16] =	ssyncadd.s32 $0xFFFFF800  }
0x6e: {  	_ =	sfence.sel $0x180000  }
0x6f: {  	[bflag:$0x0] =	sbarrier.arrive $0xFFFF  }
0x70: {  	p0 =	sne.s32 s0, $0x0;
	_ =	strace $0x90000047  }
0x71: {  	s0 =	sadd.s32 @!p0 $0x100000, s2;
	[bflag:$0x2] =	sbarrier.arrive $0xFFFF  }
0x72: {  	[sflag:s0] =	ssyncadd.tile.s32 @!p0 $0x1;
	_ =	shalt  }
.Lfunc_end2:
_tile_overlayer_lowered:
.L_overlay_start_2:
0x73: {  	(tag) =	ssettag $0x2  }
0x74: {  	s0 =	rddreg [dreg:$0x0];
	s2 =	stileid.u32  }
0x75: {  	s1 =	rddreg [dreg:$0x1];
	p0 =	sne.s32 s2, $0x0  }
0x76: {  	s3 =	rddreg [dreg:$0x2];
	[bflag:$0x3] =	sbarrier.arrive $0xFFFF;
	s2 =	simm.s32 @!p0 $0x1C09  }
0x77: {  	[timem:s3], [sflag:s2] =	dma.local @!p0 [hbm:s0], s1  }
0x78: {  	s0 =	simm.s32 @!p0 $0x9  }
0x79: {  	_ =	swait.ge @!p0 [sflag:s0], s1  }
0x7a: {  	s1 =	ssub.s32 @!p0 $0x0, s1;
	[sflag:s0] =	ssyncset.done @!p0 $0x0  }
0x7b: {  	[sflag:s0] =	ssyncadd.s32 @!p0 s1  }
0x7c: {  	[bflag:$0x3] =	sbarrier.arrive $0xFFFF  }
0x7d: {  	_ =	shalt  }

</sc_bundles>
